<compile_context>
chip_gen: v7x
topology: tpu7x:2x2x1
jax: 0.10.2.dev20260603
libtpu: 0.0.44.dev20260713+nightly
codegen_flags: <defaults>
</compile_context>

<pallas_src>
import jax
import jax.numpy as jnp
from jax import lax
from jax.experimental import pallas as pl
from jax.experimental.pallas import tpu as pltpu
from jax.experimental.pallas import tpu_sc as plsc

B = 4096
C = 28
K = 10
CK = C * K
H = 64
G4 = 4 * H
OUT = 768
BLK = 512
NB = B // BLK

NC = 2
NS = 16
LANES = 16
NW = NC * NS
RW = B // NW
EPW = RW * C
NCHUNK = EPW // LANES
HROWS = 128
NTAB = HROWS * LANES

_mesh = plsc.VectorSubcoreMesh(core_axis_name="c", subcore_axis_name="s")
_params = pltpu.CompilerParams(needs_layout_passes=False)


RPT = B // NS
EPT = RPT * C
NCHT = EPT // LANES
PSL = NTAB // NS


def _fused_body(vs_hbm, lev_hbm, out_hbm,
                vs_v, lev_v, hist_v, pslice_v, tabslice_v, tab_v, npm_v,
                shared_parts, shared_tab, sem):
    cid = lax.axis_index("c")
    sid = lax.axis_index("s")
    wid = sid * NC + cid
    cp_vs = pltpu.async_copy(vs_hbm.at[pl.ds(sid * EPT, EPT)], vs_v, sem)
    cp_lev = pltpu.async_copy(lev_hbm.at[pl.ds(sid * RPT, RPT)], lev_v, sem)
    iota = lax.broadcasted_iota(jnp.int32, (LANES,), 0)

    def zero_body(j, carry):
        hist_v[pl.ds(j * LANES, LANES)] = jnp.zeros((LANES,), jnp.float32)
        return carry

    lax.fori_loop(0, NTAB // LANES, zero_body, 0)
    cp_vs.wait()
    cp_lev.wait()

    ones = jnp.ones((LANES,), jnp.float32)

    def hbody(i, carry):
        for u in range(2):
            o = (2 * i + u) * LANES
            e = o + iota
            r = e // C
            c = e - r * C
            valf = vs_v[pl.ds(o, LANES)]
            vali = valf.astype(jnp.int32)
            lev = plsc.load_gather(lev_v, [r])
            b = lev * CK + c * K + vali
            plsc.addupdate_scatter(hist_v, [b], ones)
        return carry

    lax.fori_loop(0, NCHT // 2, hbody, 0)

    pltpu.sync_copy(hist_v, shared_parts.at[pl.ds(sid * NTAB, NTAB)])
    plsc.subcore_barrier()
    cps = [pltpu.async_copy(
               shared_parts.at[pl.ds(t * NTAB + sid * PSL, PSL)],
               pslice_v.at[t], sem)
           for t in range(NS)]
    for cp in cps:
        cp.wait()
    for jj in range(PSL // LANES):
        acc = pslice_v[0, pl.ds(jj * LANES, LANES)]
        for t in range(1, NS):
            acc = acc + pslice_v[t, pl.ds(jj * LANES, LANES)]
        tabslice_v[pl.ds(jj * LANES, LANES)] = acc
    pltpu.sync_copy(tabslice_v, shared_tab.at[pl.ds(sid * PSL, PSL)])
    plsc.subcore_barrier()
    pltpu.sync_copy(shared_tab, tab_v)

    npm = jnp.ones((LANES,), jnp.float32)
    for l in range(5):
        row = plsc.load_gather(tab_v, [l * CK + iota])
        s = jnp.sum(jnp.where(iota < K, row, 0.0))
        s = jnp.maximum(s, 1.0)
        npm = jnp.where(iota == l, s, npm)
    npm_v[...] = npm

    def sbody(j, carry):
        bi = j * LANES + iota
        d = plsc.load_gather(npm_v, [bi // CK])
        tab_v[pl.ds(j * LANES, LANES)] = tab_v[pl.ds(j * LANES, LANES)] / d
        return carry

    lax.fori_loop(0, NTAB // LANES, sbody, 0)

    boff = cid * EPW

    def wbody(i, carry):
        for u in range(2):
            o = boff + (2 * i + u) * LANES
            e = o + iota
            r = e // C
            c = e - r * C
            valf = vs_v[pl.ds(o, LANES)]
            vali = valf.astype(jnp.int32)
            lev = plsc.load_gather(lev_v, [r])
            b = lev * CK + c * K + vali
            t = plsc.load_gather(tab_v, [b])
            vs_v[pl.ds(o, LANES)] = valf * t
        return carry

    lax.fori_loop(0, NCHUNK // 2, wbody, 0)
    pltpu.sync_copy(vs_v.at[pl.ds(boff, EPW)],
                    out_hbm.at[pl.ds(wid * EPW, EPW)])


_fused = pl.kernel(
    _fused_body,
    out_type=jax.ShapeDtypeStruct((B * C,), jnp.float32),
    mesh=_mesh,
    compiler_params=_params,
    scratch_types=[
        pltpu.VMEM((EPT,), jnp.float32),
        pltpu.VMEM((RPT,), jnp.int32),
        pltpu.VMEM((NTAB,), jnp.float32),
        pltpu.VMEM((NS, PSL), jnp.float32),
        pltpu.VMEM((PSL,), jnp.float32),
        pltpu.VMEM((NTAB,), jnp.float32),
        pltpu.VMEM((LANES,), jnp.float32),
        pltpu.VMEM_SHARED((NS * NTAB,), jnp.float32),
        pltpu.VMEM_SHARED((NTAB,), jnp.float32),
        pltpu.SemaphoreType.DMA,
    ],
)


def _lstm_kernel(x_ref, wih_ref, bih_ref, bhh_ref, wfc_ref, bfc_ref, out_ref):
    x = x_ref[...]
    gates = lax.dot_general(x, wih_ref[...], (((1,), (1,)), ((), ())),
                            preferred_element_type=jnp.float32)
    gates = gates + bih_ref[...] + bhh_ref[...]
    i_g = jax.nn.sigmoid(gates[:, 0:H])
    g_g = jnp.tanh(gates[:, 2 * H:3 * H])
    o_g = jax.nn.sigmoid(gates[:, 3 * H:4 * H])
    h = o_g * jnp.tanh(i_g * g_g)
    out_ref[...] = lax.dot_general(h, wfc_ref[...], (((1,), (1,)), ((), ())),
                                   preferred_element_type=jnp.float32) + bfc_ref[...]


def kernel(VS, CC, Level, Depart, W_ih, W_hh, b_ih, b_hh, W_fc, b_fc):
    vs_flat = VS.reshape(B * C)
    lev_i = Level.astype(jnp.int32)
    w_flat = _fused(vs_flat, lev_i)
    x = w_flat.reshape(B, C)

    vs_feat = pl.pallas_call(
        _lstm_kernel,
        grid=(NB,),
        in_specs=[pl.BlockSpec((BLK, C), lambda i: (i, 0)),
                  pl.BlockSpec((G4, C), lambda i: (0, 0)),
                  pl.BlockSpec((1, G4), lambda i: (0, 0)),
                  pl.BlockSpec((1, G4), lambda i: (0, 0)),
                  pl.BlockSpec((OUT, H), lambda i: (0, 0)),
                  pl.BlockSpec((1, OUT), lambda i: (0, 0))],
        out_specs=pl.BlockSpec((BLK, OUT), lambda i: (i, 0)),
        out_shape=jax.ShapeDtypeStruct((B, OUT), jnp.float32),
    )(x, W_ih, b_ih.reshape(1, G4), b_hh.reshape(1, G4),
      W_fc, b_fc.reshape(1, OUT))

    return (jnp.squeeze(CC, axis=1), vs_feat, Level, Depart)

# --- scband reference (transcript-rebuilt; emitter-appended) ---
"""Pipeline reference for scband-encoder-18854906430072 (READ-ONLY COPY).

The authoritative reference and input builder live on the scoring server;
editing this copy changes nothing except your own understanding.
"""

import jax, jax.numpy as jnp
import numpy as np

B = 4096
NUM_CLASSES = 5
NUM_VALS = 10
VS_DIM = 28
CC_DIM = 768
HIDDEN = 64
OUT = 768


def setup_inputs(seed: int = 0):
    key = jax.random.key(seed)
    ks = jax.random.split(key, 10)
    VS = jax.random.randint(ks[0], (B, VS_DIM), 0, NUM_VALS).astype(jnp.float32)
    CC = jax.random.normal(ks[1], (B, 1, CC_DIM), dtype=jnp.float32)
    Level = jax.random.randint(ks[2], (B,), 0, NUM_CLASSES)
    Depart = jax.random.randint(ks[3], (B,), 0, 10)
    s = 1.0 / np.sqrt(HIDDEN)
    W_ih = jax.random.uniform(ks[4], (4 * HIDDEN, VS_DIM), minval=-s, maxval=s, dtype=jnp.float32)
    W_hh = jax.random.uniform(ks[5], (4 * HIDDEN, HIDDEN), minval=-s, maxval=s, dtype=jnp.float32)
    b_ih = jax.random.uniform(ks[6], (4 * HIDDEN,), minval=-s, maxval=s, dtype=jnp.float32)
    b_hh = jax.random.uniform(ks[7], (4 * HIDDEN,), minval=-s, maxval=s, dtype=jnp.float32)
    W_fc = jax.random.uniform(ks[8], (OUT, HIDDEN), minval=-s, maxval=s, dtype=jnp.float32)
    b_fc = jax.random.uniform(ks[9], (OUT,), minval=-s, maxval=s, dtype=jnp.float32)
    return {"VS": VS, "CC": CC, "Level": Level, "Depart": Depart,
            "W_ih": W_ih, "W_hh": W_hh, "b_ih": b_ih, "b_hh": b_hh,
            "W_fc": W_fc, "b_fc": b_fc}


def casual_weighted(vs, labels):
    # Per-class, per-column value histogram -> conditional probability weighting.
    vals = vs.astype(jnp.int32)  # discrete vital-sign values in [0, NUM_VALS)
    oh_lab = jax.nn.one_hot(labels, NUM_CLASSES, dtype=jnp.float32)  # [B, L]
    oh_val = jax.nn.one_hot(vals, NUM_VALS, dtype=jnp.float32)       # [B, C, K]
    counts = jnp.einsum('bl,bck->lck', oh_lab, oh_val)               # [L, C, K]
    n_per = oh_lab.sum(axis=0)                                       # [L]
    prob_tab = counts / jnp.maximum(n_per[:, None, None], 1.0)       # [L, C, K]
    cols = jnp.arange(VS_DIM)[None, :]
    prob = prob_tab[labels[:, None], cols, vals]                     # [B, C]
    return vs * prob


def feature_extractor(x, W_ih, W_hh, b_ih, b_hh, W_fc, b_fc):
    # x.unsqueeze(1) -> seq_len 1 LSTM from zero state, take last hidden, then fc.
    h0 = jnp.zeros((x.shape[0], HIDDEN), dtype=x.dtype)
    gates = x @ W_ih.T + b_ih + h0 @ W_hh.T + b_hh
    i, f, g, o = jnp.split(gates, 4, axis=-1)
    i = jax.nn.sigmoid(i)
    f = jax.nn.sigmoid(f)
    g = jnp.tanh(g)
    o = jax.nn.sigmoid(o)
    c = i * g  # c0 = 0
    h = o * jnp.tanh(c)
    return h @ W_fc.T + b_fc


def reference(VS, CC, Level, Depart, W_ih, W_hh, b_ih, b_hh, W_fc, b_fc):
    cc_feat = jnp.squeeze(CC)
    vs_feat_cw = casual_weighted(VS, Level)
    vs_feat = feature_extractor(vs_feat_cw, W_ih, W_hh, b_ih, b_hh, W_fc, b_fc)
    return (cc_feat, vs_feat, Level, Depart)

if __name__ == "__main__":
    import jax
    _d = setup_inputs()
    print(jax.jit(kernel)(*tuple(_d.values())))

</pallas_src>

<mosaic_0001>
#map = affine_map<(d0, d1) -> (0)>
module attributes {stable_mosaic.version = 14 : i64} {
  func.func @_fused_body(%arg0: i32, %arg1: i32, %arg2: memref<114688xf32, #tpu.memory_space<hbm>>, %arg3: memref<4096xi32, #tpu.memory_space<hbm>>, %arg4: memref<114688xf32, #tpu.memory_space<hbm>>, %arg5: memref<7168xf32, #tpu.memory_space<vmem>>, %arg6: memref<256xi32, #tpu.memory_space<vmem>>, %arg7: memref<2048xf32, #tpu.memory_space<vmem>>, %arg8: memref<16x128xf32, #tpu.memory_space<vmem>>, %arg9: memref<128xf32, #tpu.memory_space<vmem>>, %arg10: memref<2048xf32, #tpu.memory_space<vmem>>, %arg11: memref<16xf32, #tpu.memory_space<vmem>>, %arg12: memref<32768xf32, #tpu.memory_space<vmem_shared>>, %arg13: memref<2048xf32, #tpu.memory_space<vmem_shared>>, %arg14: memref<!tpu.dma_semaphore, #tpu.memory_space<semaphore_mem>>) attributes {dimension_semantics = [#tpu.dimension_semantics<core_parallel>, #tpu.dimension_semantics<subcore_parallel>], iteration_bounds = array<i64: 2, 16>, scalar_prefetch = 0 : i64, scratch_operands = 10 : i64, tpu.core_type = #tpu.core_type<sc_vector_subcore>, window_params = [{transform_indices = #map}, {transform_indices = #map}, {transform_indices = #map}]} {
    %mul3A = arith.constant 2 : i32
    %mul3A_0 = arith.muli %arg1, %mul3A : i32
    %add3A = arith.addi %mul3A_0, %arg0 : i32
    %mul3A_1 = arith.constant 7168 : i32
    %mul3A_2 = arith.muli %arg1, %mul3A_1 : i32
    %dma_start3A = tpu.memref_slice %arg2[%mul3A_2] : memref<114688xf32, #tpu.memory_space<hbm>> -> memref<7168xf32, #tpu.memory_space<hbm>>
    %dma_start3A_3 = tpu.memref_slice %arg2[%mul3A_2] : memref<114688xf32, #tpu.memory_space<hbm>> -> memref<7168xf32, #tpu.memory_space<hbm>>
    tpu.enqueue_dma source(%dma_start3A_3 : memref<7168xf32, #tpu.memory_space<hbm>>) target(%arg5 : memref<7168xf32, #tpu.memory_space<vmem>>) target_semaphore(%arg14 : memref<!tpu.dma_semaphore, #tpu.memory_space<semaphore_mem>>)
    %mul3A_4 = arith.constant 256 : i32
    %mul3A_5 = arith.muli %arg1, %mul3A_4 : i32
    %dma_start3A_6 = tpu.memref_slice %arg3[%mul3A_5] : memref<4096xi32, #tpu.memory_space<hbm>> -> memref<256xi32, #tpu.memory_space<hbm>>
    %dma_start3A_7 = tpu.memref_slice %arg3[%mul3A_5] : memref<4096xi32, #tpu.memory_space<hbm>> -> memref<256xi32, #tpu.memory_space<hbm>>
    tpu.enqueue_dma source(%dma_start3A_7 : memref<256xi32, #tpu.memory_space<hbm>>) target(%arg6 : memref<256xi32, #tpu.memory_space<vmem>>) target_semaphore(%arg14 : memref<!tpu.dma_semaphore, #tpu.memory_space<semaphore_mem>>)
    %iota3A = tpu.iota {dimensions = array<i32: 0>} : vector<16xi32>
    %scan3A = arith.constant 0 : i32
    %scan3A_8 = arith.constant 0 : i32
    %scan3A_9 = arith.constant 128 : i32
    %scan3A_10 = arith.addi %scan3A_8, %scan3A_9 : i32
    %scan3A_11 = arith.constant 1 : i32
    scf.for %scan3A_1144 = %scan3A_8 to %scan3A_10 step %scan3A_11  : i32 {
      %broadcast_in_dim3A_1145 = arith.constant 0.000000e+00 : f32
      %broadcast_in_dim3A_1146 = vector.broadcast %broadcast_in_dim3A_1145 : f32 to vector<16xf32>
      %mul3A_1147 = arith.constant 16 : i32
      %mul3A_1148 = arith.muli %scan3A_1144, %mul3A_1147 : i32
      %swap3A_1149 = arith.index_cast %mul3A_1148 : i32 to index
      %swap3A_1150 = tpu.vector_load %arg7[%swap3A_1149] {strides = array<i32>} : memref<2048xf32, #tpu.memory_space<vmem>>, vector<16xf32>,
      tpu.vector_store %arg7[%swap3A_1149], %broadcast_in_dim3A_1146 {strides = array<i32>} : memref<2048xf32, #tpu.memory_space<vmem>>, vector<16xf32>,
    }
    %scan3A_12 = arith.constant 128 : i32
    %dma_wait3A = tpu.memref_slice %arg2[%mul3A_2] : memref<114688xf32, #tpu.memory_space<hbm>> -> memref<7168xf32, #tpu.memory_space<hbm>>
    %dma_wait3A_13 = tpu.memref_slice %arg2[%mul3A_2] : memref<114688xf32, #tpu.memory_space<hbm>> -> memref<7168xf32, #tpu.memory_space<hbm>>
    tpu.wait_dma2 semaphore(%arg14 : memref<!tpu.dma_semaphore, #tpu.memory_space<semaphore_mem>>) src(%dma_wait3A_13 : memref<7168xf32, #tpu.memory_space<hbm>>) dst(%arg5 : memref<7168xf32, #tpu.memory_space<vmem>>)
    %dma_wait3A_14 = tpu.memref_slice %arg3[%mul3A_5] : memref<4096xi32, #tpu.memory_space<hbm>> -> memref<256xi32, #tpu.memory_space<hbm>>
    %dma_wait3A_15 = tpu.memref_slice %arg3[%mul3A_5] : memref<4096xi32, #tpu.memory_space<hbm>> -> memref<256xi32, #tpu.memory_space<hbm>>
    tpu.wait_dma2 semaphore(%arg14 : memref<!tpu.dma_semaphore, #tpu.memory_space<semaphore_mem>>) src(%dma_wait3A_15 : memref<256xi32, #tpu.memory_space<hbm>>) dst(%arg6 : memref<256xi32, #tpu.memory_space<vmem>>)
    %broadcast_in_dim3A = arith.constant 1.000000e+00 : f32
    %broadcast_in_dim3A_16 = vector.broadcast %broadcast_in_dim3A : f32 to vector<16xf32>
    %scan3A_17 = arith.constant 0 : i32
    %scan3A_18 = arith.constant 0 : i32
    %scan3A_19 = arith.constant 224 : i32
    %scan3A_20 = arith.addi %scan3A_18, %scan3A_19 : i32
    %scan3A_21 = arith.constant 1 : i32
    scf.for %scan3A_1144 = %scan3A_18 to %scan3A_20 step %scan3A_21  : i32 {
      %mul3A_1145 = arith.constant 2 : i32
      %mul3A_1146 = arith.muli %mul3A_1145, %scan3A_1144 : i32
      %add3A_1147 = arith.constant 0 : i32
      %add3A_1148 = arith.addi %mul3A_1146, %add3A_1147 : i32
      %mul3A_1149 = arith.constant 16 : i32
      %mul3A_1150 = arith.muli %add3A_1148, %mul3A_1149 : i32
      %add3A_1151 = vector.broadcast %mul3A_1150 : i32 to vector<16xi32>
      %add3A_1152 = arith.addi %add3A_1151, %iota3A : vector<16xi32>
      %jit3A_1153 = arith.constant 28 : i32
      %div3A = vector.broadcast %jit3A_1153 : i32 to vector<16xi32>
      %div3A_1154 = arith.divsi %add3A_1152, %div3A : vector<16xi32>
      %sign3A = arith.constant 0 : i32
      %sign3A_1155 = vector.broadcast %sign3A : i32 to vector<16xi32>
      %sign3A_1156 = arith.cmpi sgt, %add3A_1152, %sign3A_1155 : vector<16xi32>
      %sign3A_1157 = arith.extui %sign3A_1156 : vector<16xi1> to vector<16xi32>
      %sign3A_1158 = arith.constant 0 : i32
      %sign3A_1159 = vector.broadcast %sign3A_1158 : i32 to vector<16xi32>
      %sign3A_1160 = arith.cmpi slt, %add3A_1152, %sign3A_1159 : vector<16xi32>
      %sign3A_1161 = arith.extui %sign3A_1160 : vector<16xi1> to vector<16xi32>
      %sign3A_1162 = arith.subi %sign3A_1157, %sign3A_1161 : vector<16xi32>
      %sign3A_1163 = arith.constant 0 : i32
      %sign3A_1164 = arith.cmpi sgt, %jit3A_1153, %sign3A_1163 : i32
      %sign3A_1165 = arith.extui %sign3A_1164 : i1 to i32
      %sign3A_1166 = arith.constant 0 : i32
      %sign3A_1167 = arith.cmpi slt, %jit3A_1153, %sign3A_1166 : i32
      %sign3A_1168 = arith.extui %sign3A_1167 : i1 to i32
      %sign3A_1169 = arith.subi %sign3A_1165, %sign3A_1168 : i32
      %ne3A = vector.broadcast %sign3A_1169 : i32 to vector<16xi32>
      %ne3A_1170 = arith.cmpi ne, %sign3A_1162, %ne3A : vector<16xi32>
      %rem3A = vector.broadcast %jit3A_1153 : i32 to vector<16xi32>
      %rem3A_1171 = arith.remsi %add3A_1152, %rem3A : vector<16xi32>
      %ne3A_1172 = arith.constant 0 : i32
      %ne3A_1173 = vector.broadcast %ne3A_1172 : i32 to vector<16xi32>
      %ne3A_1174 = arith.cmpi ne, %rem3A_1171, %ne3A_1173 : vector<16xi32>
      %and3A = arith.andi %ne3A_1170, %ne3A_1174 : vector<16xi1>
      %sub3A = arith.constant 1 : i32
      %sub3A_1175 = vector.broadcast %sub3A : i32 to vector<16xi32>
      %sub3A_1176 = arith.subi %div3A_1154, %sub3A_1175 : vector<16xi32>
      %select_n3A_1177 = arith.select %and3A, %sub3A_1176, %div3A_1154 : vector<16xi1>, vector<16xi32>
      %mul3A_1178 = arith.constant 28 : i32
      %mul3A_1179 = vector.broadcast %mul3A_1178 : i32 to vector<16xi32>
      %mul3A_1180 = arith.muli %select_n3A_1177, %mul3A_1179 : vector<16xi32>
      %sub3A_1181 = arith.subi %add3A_1152, %mul3A_1180 : vector<16xi32>
      %get3A_1182 = arith.index_cast %mul3A_1150 : i32 to index
      %get3A_1183 = tpu.vector_load %arg5[%get3A_1182] {strides = array<i32>} : memref<7168xf32, #tpu.memory_space<vmem>>, vector<16xf32>,
      %convert_element_type3A = arith.fptosi %get3A_1183 : vector<16xf32> to vector<16xi32>
      %gather3A_1184 = tpu.vector_load_idx %arg6[%select_n3A_1177] : memref<256xi32, #tpu.memory_space<vmem>>[vector<16xi32>], vector<16xi32>,
      %mul3A_1185 = arith.constant 280 : i32
      %mul3A_1186 = vector.broadcast %mul3A_1185 : i32 to vector<16xi32>
      %mul3A_1187 = arith.muli %gather3A_1184, %mul3A_1186 : vector<16xi32>
      %mul3A_1188 = arith.constant 10 : i32
      %mul3A_1189 = vector.broadcast %mul3A_1188 : i32 to vector<16xi32>
      %mul3A_1190 = arith.muli %sub3A_1181, %mul3A_1189 : vector<16xi32>
      %add3A_1191 = arith.addi %mul3A_1187, %mul3A_1190 : vector<16xi32>
      %add3A_1192 = arith.addi %add3A_1191, %convert_element_type3A : vector<16xi32>
      tpu.vector_store_idx %arg7[%add3A_1192], %broadcast_in_dim3A_16 {add = true} : memref<2048xf32, #tpu.memory_space<vmem>>[vector<16xi32>], vector<16xf32>,
      %mul3A_1193 = arith.constant 2 : i32
      %mul3A_1194 = arith.muli %mul3A_1193, %scan3A_1144 : i32
      %add3A_1195 = arith.constant 1 : i32
      %add3A_1196 = arith.addi %mul3A_1194, %add3A_1195 : i32
      %mul3A_1197 = arith.constant 16 : i32
      %mul3A_1198 = arith.muli %add3A_1196, %mul3A_1197 : i32
      %add3A_1199 = vector.broadcast %mul3A_1198 : i32 to vector<16xi32>
      %add3A_1200 = arith.addi %add3A_1199, %iota3A : vector<16xi32>
      %jit3A_1201 = arith.constant 28 : i32
      %div3A_1202 = vector.broadcast %jit3A_1201 : i32 to vector<16xi32>
      %div3A_1203 = arith.divsi %add3A_1200, %div3A_1202 : vector<16xi32>
      %sign3A_1204 = arith.constant 0 : i32
      %sign3A_1205 = vector.broadcast %sign3A_1204 : i32 to vector<16xi32>
      %sign3A_1206 = arith.cmpi sgt, %add3A_1200, %sign3A_1205 : vector<16xi32>
      %sign3A_1207 = arith.extui %sign3A_1206 : vector<16xi1> to vector<16xi32>
      %sign3A_1208 = arith.constant 0 : i32
      %sign3A_1209 = vector.broadcast %sign3A_1208 : i32 to vector<16xi32>
      %sign3A_1210 = arith.cmpi slt, %add3A_1200, %sign3A_1209 : vector<16xi32>
      %sign3A_1211 = arith.extui %sign3A_1210 : vector<16xi1> to vector<16xi32>
      %sign3A_1212 = arith.subi %sign3A_1207, %sign3A_1211 : vector<16xi32>
      %sign3A_1213 = arith.constant 0 : i32
      %sign3A_1214 = arith.cmpi sgt, %jit3A_1201, %sign3A_1213 : i32
      %sign3A_1215 = arith.extui %sign3A_1214 : i1 to i32
      %sign3A_1216 = arith.constant 0 : i32
      %sign3A_1217 = arith.cmpi slt, %jit3A_1201, %sign3A_1216 : i32
      %sign3A_1218 = arith.extui %sign3A_1217 : i1 to i32
      %sign3A_1219 = arith.subi %sign3A_1215, %sign3A_1218 : i32
      %ne3A_1220 = vector.broadcast %sign3A_1219 : i32 to vector<16xi32>
      %ne3A_1221 = arith.cmpi ne, %sign3A_1212, %ne3A_1220 : vector<16xi32>
      %rem3A_1222 = vector.broadcast %jit3A_1201 : i32 to vector<16xi32>
      %rem3A_1223 = arith.remsi %add3A_1200, %rem3A_1222 : vector<16xi32>
      %ne3A_1224 = arith.constant 0 : i32
      %ne3A_1225 = vector.broadcast %ne3A_1224 : i32 to vector<16xi32>
      %ne3A_1226 = arith.cmpi ne, %rem3A_1223, %ne3A_1225 : vector<16xi32>
      %and3A_1227 = arith.andi %ne3A_1221, %ne3A_1226 : vector<16xi1>
      %sub3A_1228 = arith.constant 1 : i32
      %sub3A_1229 = vector.broadcast %sub3A_1228 : i32 to vector<16xi32>
      %sub3A_1230 = arith.subi %div3A_1203, %sub3A_1229 : vector<16xi32>
      %select_n3A_1231 = arith.select %and3A_1227, %sub3A_1230, %div3A_1203 : vector<16xi1>, vector<16xi32>
      %mul3A_1232 = arith.constant 28 : i32
      %mul3A_1233 = vector.broadcast %mul3A_1232 : i32 to vector<16xi32>
      %mul3A_1234 = arith.muli %select_n3A_1231, %mul3A_1233 : vector<16xi32>
      %sub3A_1235 = arith.subi %add3A_1200, %mul3A_1234 : vector<16xi32>
      %get3A_1236 = arith.index_cast %mul3A_1198 : i32 to index
      %get3A_1237 = tpu.vector_load %arg5[%get3A_1236] {strides = array<i32>} : memref<7168xf32, #tpu.memory_space<vmem>>, vector<16xf32>,
      %convert_element_type3A_1238 = arith.fptosi %get3A_1237 : vector<16xf32> to vector<16xi32>
      %gather3A_1239 = tpu.vector_load_idx %arg6[%select_n3A_1231] : memref<256xi32, #tpu.memory_space<vmem>>[vector<16xi32>], vector<16xi32>,
      %mul3A_1240 = arith.constant 280 : i32
      %mul3A_1241 = vector.broadcast %mul3A_1240 : i32 to vector<16xi32>
      %mul3A_1242 = arith.muli %gather3A_1239, %mul3A_1241 : vector<16xi32>
      %mul3A_1243 = arith.constant 10 : i32
      %mul3A_1244 = vector.broadcast %mul3A_1243 : i32 to vector<16xi32>
      %mul3A_1245 = arith.muli %sub3A_1235, %mul3A_1244 : vector<16xi32>
      %add3A_1246 = arith.addi %mul3A_1242, %mul3A_1245 : vector<16xi32>
      %add3A_1247 = arith.addi %add3A_1246, %convert_element_type3A_1238 : vector<16xi32>
      tpu.vector_store_idx %arg7[%add3A_1247], %broadcast_in_dim3A_16 {add = true} : memref<2048xf32, #tpu.memory_space<vmem>>[vector<16xi32>], vector<16xf32>,
    }
    %scan3A_22 = arith.constant 224 : i32
    %mul3A_23 = arith.constant 2048 : i32
    %mul3A_24 = arith.muli %arg1, %mul3A_23 : i32
    "tpu.region"() ({
      %run_scoped3A = tpu.sem_alloc : memref<!tpu.dma_semaphore, #tpu.memory_space<semaphore_mem>>
      %dma_start3A_1144 = tpu.memref_slice %arg12[%mul3A_24] : memref<32768xf32, #tpu.memory_space<vmem_shared>> -> memref<2048xf32, #tpu.memory_space<vmem_shared>>
      %dma_start3A_1145 = tpu.memref_slice %arg12[%mul3A_24] : memref<32768xf32, #tpu.memory_space<vmem_shared>> -> memref<2048xf32, #tpu.memory_space<vmem_shared>>
      tpu.enqueue_dma source(%arg7 : memref<2048xf32, #tpu.memory_space<vmem>>) target(%dma_start3A_1145 : memref<2048xf32, #tpu.memory_space<vmem_shared>>) target_semaphore(%run_scoped3A : memref<!tpu.dma_semaphore, #tpu.memory_space<semaphore_mem>>)
      %dma_wait3A_1146 = tpu.memref_slice %arg12[%mul3A_24] : memref<32768xf32, #tpu.memory_space<vmem_shared>> -> memref<2048xf32, #tpu.memory_space<vmem_shared>>
      %dma_wait3A_1147 = tpu.memref_slice %arg12[%mul3A_24] : memref<32768xf32, #tpu.memory_space<vmem_shared>> -> memref<2048xf32, #tpu.memory_space<vmem_shared>>
      tpu.wait_dma2 semaphore(%run_scoped3A : memref<!tpu.dma_semaphore, #tpu.memory_space<semaphore_mem>>) src(%arg7 : memref<2048xf32, #tpu.memory_space<vmem>>) dst(%dma_wait3A_1147 : memref<2048xf32, #tpu.memory_space<vmem_shared>>)
      tpu.yield
    }) : () -> ()
    %barrier3A = arith.constant 0 : index
    tpu.barrier barrier_id(%barrier3A)
    %mul3A_25 = arith.constant 128 : i32
    %mul3A_26 = arith.muli %arg1, %mul3A_25 : i32
    %add3A_27 = arith.constant 0 : i32
    %add3A_28 = arith.addi %add3A_27, %mul3A_26 : i32
    %dma_start3A_29 = arith.constant 0 : i32
    %dma_start3A_30 = arith.constant 0 : i32
    %dma_start3A_31 = tpu.memref_slice %arg8[%dma_start3A_29, %dma_start3A_30] : memref<16x128xf32, #tpu.memory_space<vmem>> -> memref<1x128xf32, #tpu.memory_space<vmem>>
    %dma_start3A_32 = tpu.memref_squeeze %dma_start3A_31 : memref<1x128xf32, #tpu.memory_space<vmem>> -> memref<128xf32, #tpu.memory_space<vmem>>
    %dma_start3A_33 = tpu.memref_slice %arg12[%add3A_28] : memref<32768xf32, #tpu.memory_space<vmem_shared>> -> memref<128xf32, #tpu.memory_space<vmem_shared>>
    %dma_start3A_34 = arith.constant 0 : i32
    %dma_start3A_35 = tpu.memref_slice %arg8[%dma_start3A_29, %dma_start3A_34] : memref<16x128xf32, #tpu.memory_space<vmem>> -> memref<1x128xf32, #tpu.memory_space<vmem>>
    %dma_start3A_36 = tpu.memref_squeeze %dma_start3A_35 : memref<1x128xf32, #tpu.memory_space<vmem>> -> memref<128xf32, #tpu.memory_space<vmem>>
    %dma_start3A_37 = tpu.memref_slice %arg12[%add3A_28] : memref<32768xf32, #tpu.memory_space<vmem_shared>> -> memref<128xf32, #tpu.memory_space<vmem_shared>>
    tpu.enqueue_dma source(%dma_start3A_37 : memref<128xf32, #tpu.memory_space<vmem_shared>>) target(%dma_start3A_36 : memref<128xf32, #tpu.memory_space<vmem>>) target_semaphore(%arg14 : memref<!tpu.dma_semaphore, #tpu.memory_space<semaphore_mem>>)
    %mul3A_38 = arith.constant 128 : i32
    %mul3A_39 = arith.muli %arg1, %mul3A_38 : i32
    %add3A_40 = arith.constant 2048 : i32
    %add3A_41 = arith.addi %add3A_40, %mul3A_39 : i32
    %dma_start3A_42 = arith.constant 1 : i32
    %dma_start3A_43 = arith.constant 0 : i32
    %dma_start3A_44 = tpu.memref_slice %arg8[%dma_start3A_42, %dma_start3A_43] : memref<16x128xf32, #tpu.memory_space<vmem>> -> memref<1x128xf32, #tpu.memory_space<vmem>>
    %dma_start3A_45 = tpu.memref_squeeze %dma_start3A_44 : memref<1x128xf32, #tpu.memory_space<vmem>> -> memref<128xf32, #tpu.memory_space<vmem>>
    %dma_start3A_46 = tpu.memref_slice %arg12[%add3A_41] : memref<32768xf32, #tpu.memory_space<vmem_shared>> -> memref<128xf32, #tpu.memory_space<vmem_shared>>
    %dma_start3A_47 = arith.constant 0 : i32
    %dma_start3A_48 = tpu.memref_slice %arg8[%dma_start3A_42, %dma_start3A_47] : memref<16x128xf32, #tpu.memory_space<vmem>> -> memref<1x128xf32, #tpu.memory_space<vmem>>
    %dma_start3A_49 = tpu.memref_squeeze %dma_start3A_48 : memref<1x128xf32, #tpu.memory_space<vmem>> -> memref<128xf32, #tpu.memory_space<vmem>>
    %dma_start3A_50 = tpu.memref_slice %arg12[%add3A_41] : memref<32768xf32, #tpu.memory_space<vmem_shared>> -> memref<128xf32, #tpu.memory_space<vmem_shared>>
    tpu.enqueue_dma source(%dma_start3A_50 : memref<128xf32, #tpu.memory_space<vmem_shared>>) target(%dma_start3A_49 : memref<128xf32, #tpu.memory_space<vmem>>) target_semaphore(%arg14 : memref<!tpu.dma_semaphore, #tpu.memory_space<semaphore_mem>>)
    %mul3A_51 = arith.constant 128 : i32
    %mul3A_52 = arith.muli %arg1, %mul3A_51 : i32
    %add3A_53 = arith.constant 4096 : i32
    %add3A_54 = arith.addi %add3A_53, %mul3A_52 : i32
    %dma_start3A_55 = arith.constant 2 : i32
    %dma_start3A_56 = arith.constant 0 : i32
    %dma_start3A_57 = tpu.memref_slice %arg8[%dma_start3A_55, %dma_start3A_56] : memref<16x128xf32, #tpu.memory_space<vmem>> -> memref<1x128xf32, #tpu.memory_space<vmem>>
    %dma_start3A_58 = tpu.memref_squeeze %dma_start3A_57 : memref<1x128xf32, #tpu.memory_space<vmem>> -> memref<128xf32, #tpu.memory_space<vmem>>
    %dma_start3A_59 = tpu.memref_slice %arg12[%add3A_54] : memref<32768xf32, #tpu.memory_space<vmem_shared>> -> memref<128xf32, #tpu.memory_space<vmem_shared>>
    %dma_start3A_60 = arith.constant 0 : i32
    %dma_start3A_61 = tpu.memref_slice %arg8[%dma_start3A_55, %dma_start3A_60] : memref<16x128xf32, #tpu.memory_space<vmem>> -> memref<1x128xf32, #tpu.memory_space<vmem>>
    %dma_start3A_62 = tpu.memref_squeeze %dma_start3A_61 : memref<1x128xf32, #tpu.memory_space<vmem>> -> memref<128xf32, #tpu.memory_space<vmem>>
    %dma_start3A_63 = tpu.memref_slice %arg12[%add3A_54] : memref<32768xf32, #tpu.memory_space<vmem_shared>> -> memref<128xf32, #tpu.memory_space<vmem_shared>>
    tpu.enqueue_dma source(%dma_start3A_63 : memref<128xf32, #tpu.memory_space<vmem_shared>>) target(%dma_start3A_62 : memref<128xf32, #tpu.memory_space<vmem>>) target_semaphore(%arg14 : memref<!tpu.dma_semaphore, #tpu.memory_space<semaphore_mem>>)
    %mul3A_64 = arith.constant 128 : i32
    %mul3A_65 = arith.muli %arg1, %mul3A_64 : i32
    %add3A_66 = arith.constant 6144 : i32
    %add3A_67 = arith.addi %add3A_66, %mul3A_65 : i32
    %dma_start3A_68 = arith.constant 3 : i32
    %dma_start3A_69 = arith.constant 0 : i32
    %dma_start3A_70 = tpu.memref_slice %arg8[%dma_start3A_68, %dma_start3A_69] : memref<16x128xf32, #tpu.memory_space<vmem>> -> memref<1x128xf32, #tpu.memory_space<vmem>>
    %dma_start3A_71 = tpu.memref_squeeze %dma_start3A_70 : memref<1x128xf32, #tpu.memory_space<vmem>> -> memref<128xf32, #tpu.memory_space<vmem>>
    %dma_start3A_72 = tpu.memref_slice %arg12[%add3A_67] : memref<32768xf32, #tpu.memory_space<vmem_shared>> -> memref<128xf32, #tpu.memory_space<vmem_shared>>
    %dma_start3A_73 = arith.constant 0 : i32
    %dma_start3A_74 = tpu.memref_slice %arg8[%dma_start3A_68, %dma_start3A_73] : memref<16x128xf32, #tpu.memory_space<vmem>> -> memref<1x128xf32, #tpu.memory_space<vmem>>
    %dma_start3A_75 = tpu.memref_squeeze %dma_start3A_74 : memref<1x128xf32, #tpu.memory_space<vmem>> -> memref<128xf32, #tpu.memory_space<vmem>>
    %dma_start3A_76 = tpu.memref_slice %arg12[%add3A_67] : memref<32768xf32, #tpu.memory_space<vmem_shared>> -> memref<128xf32, #tpu.memory_space<vmem_shared>>
    tpu.enqueue_dma source(%dma_start3A_76 : memref<128xf32, #tpu.memory_space<vmem_shared>>) target(%dma_start3A_75 : memref<128xf32, #tpu.memory_space<vmem>>) target_semaphore(%arg14 : memref<!tpu.dma_semaphore, #tpu.memory_space<semaphore_mem>>)
    %mul3A_77 = arith.constant 128 : i32
    %mul3A_78 = arith.muli %arg1, %mul3A_77 : i32
    %add3A_79 = arith.constant 8192 : i32
    %add3A_80 = arith.addi %add3A_79, %mul3A_78 : i32
    %dma_start3A_81 = arith.constant 4 : i32
    %dma_start3A_82 = arith.constant 0 : i32
    %dma_start3A_83 = tpu.memref_slice %arg8[%dma_start3A_81, %dma_start3A_82] : memref<16x128xf32, #tpu.memory_space<vmem>> -> memref<1x128xf32, #tpu.memory_space<vmem>>
    %dma_start3A_84 = tpu.memref_squeeze %dma_start3A_83 : memref<1x128xf32, #tpu.memory_space<vmem>> -> memref<128xf32, #tpu.memory_space<vmem>>
    %dma_start3A_85 = tpu.memref_slice %arg12[%add3A_80] : memref<32768xf32, #tpu.memory_space<vmem_shared>> -> memref<128xf32, #tpu.memory_space<vmem_shared>>
    %dma_start3A_86 = arith.constant 0 : i32
    %dma_start3A_87 = tpu.memref_slice %arg8[%dma_start3A_81, %dma_start3A_86] : memref<16x128xf32, #tpu.memory_space<vmem>> -> memref<1x128xf32, #tpu.memory_space<vmem>>
    %dma_start3A_88 = tpu.memref_squeeze %dma_start3A_87 : memref<1x128xf32, #tpu.memory_space<vmem>> -> memref<128xf32, #tpu.memory_space<vmem>>
    %dma_start3A_89 = tpu.memref_slice %arg12[%add3A_80] : memref<32768xf32, #tpu.memory_space<vmem_shared>> -> memref<128xf32, #tpu.memory_space<vmem_shared>>
    tpu.enqueue_dma source(%dma_start3A_89 : memref<128xf32, #tpu.memory_space<vmem_shared>>) target(%dma_start3A_88 : memref<128xf32, #tpu.memory_space<vmem>>) target_semaphore(%arg14 : memref<!tpu.dma_semaphore, #tpu.memory_space<semaphore_mem>>)
    %mul3A_90 = arith.constant 128 : i32
    %mul3A_91 = arith.muli %arg1, %mul3A_90 : i32
    %add3A_92 = arith.constant 10240 : i32
    %add3A_93 = arith.addi %add3A_92, %mul3A_91 : i32
    %dma_start3A_94 = arith.constant 5 : i32
    %dma_start3A_95 = arith.constant 0 : i32
    %dma_start3A_96 = tpu.memref_slice %arg8[%dma_start3A_94, %dma_start3A_95] : memref<16x128xf32, #tpu.memory_space<vmem>> -> memref<1x128xf32, #tpu.memory_space<vmem>>
    %dma_start3A_97 = tpu.memref_squeeze %dma_start3A_96 : memref<1x128xf32, #tpu.memory_space<vmem>> -> memref<128xf32, #tpu.memory_space<vmem>>
    %dma_start3A_98 = tpu.memref_slice %arg12[%add3A_93] : memref<32768xf32, #tpu.memory_space<vmem_shared>> -> memref<128xf32, #tpu.memory_space<vmem_shared>>
    %dma_start3A_99 = arith.constant 0 : i32
    %dma_start3A_100 = tpu.memref_slice %arg8[%dma_start3A_94, %dma_start3A_99] : memref<16x128xf32, #tpu.memory_space<vmem>> -> memref<1x128xf32, #tpu.memory_space<vmem>>
    %dma_start3A_101 = tpu.memref_squeeze %dma_start3A_100 : memref<1x128xf32, #tpu.memory_space<vmem>> -> memref<128xf32, #tpu.memory_space<vmem>>
    %dma_start3A_102 = tpu.memref_slice %arg12[%add3A_93] : memref<32768xf32, #tpu.memory_space<vmem_shared>> -> memref<128xf32, #tpu.memory_space<vmem_shared>>
    tpu.enqueue_dma source(%dma_start3A_102 : memref<128xf32, #tpu.memory_space<vmem_shared>>) target(%dma_start3A_101 : memref<128xf32, #tpu.memory_space<vmem>>) target_semaphore(%arg14 : memref<!tpu.dma_semaphore, #tpu.memory_space<semaphore_mem>>)
    %mul3A_103 = arith.constant 128 : i32
    %mul3A_104 = arith.muli %arg1, %mul3A_103 : i32
    %add3A_105 = arith.constant 12288 : i32
    %add3A_106 = arith.addi %add3A_105, %mul3A_104 : i32
    %dma_start3A_107 = arith.constant 6 : i32
    %dma_start3A_108 = arith.constant 0 : i32
    %dma_start3A_109 = tpu.memref_slice %arg8[%dma_start3A_107, %dma_start3A_108] : memref<16x128xf32, #tpu.memory_space<vmem>> -> memref<1x128xf32, #tpu.memory_space<vmem>>
    %dma_start3A_110 = tpu.memref_squeeze %dma_start3A_109 : memref<1x128xf32, #tpu.memory_space<vmem>> -> memref<128xf32, #tpu.memory_space<vmem>>
    %dma_start3A_111 = tpu.memref_slice %arg12[%add3A_106] : memref<32768xf32, #tpu.memory_space<vmem_shared>> -> memref<128xf32, #tpu.memory_space<vmem_shared>>
    %dma_start3A_112 = arith.constant 0 : i32
    %dma_start3A_113 = tpu.memref_slice %arg8[%dma_start3A_107, %dma_start3A_112] : memref<16x128xf32, #tpu.memory_space<vmem>> -> memref<1x128xf32, #tpu.memory_space<vmem>>
    %dma_start3A_114 = tpu.memref_squeeze %dma_start3A_113 : memref<1x128xf32, #tpu.memory_space<vmem>> -> memref<128xf32, #tpu.memory_space<vmem>>
    %dma_start3A_115 = tpu.memref_slice %arg12[%add3A_106] : memref<32768xf32, #tpu.memory_space<vmem_shared>> -> memref<128xf32, #tpu.memory_space<vmem_shared>>
    tpu.enqueue_dma source(%dma_start3A_115 : memref<128xf32, #tpu.memory_space<vmem_shared>>) target(%dma_start3A_114 : memref<128xf32, #tpu.memory_space<vmem>>) target_semaphore(%arg14 : memref<!tpu.dma_semaphore, #tpu.memory_space<semaphore_mem>>)
    %mul3A_116 = arith.constant 128 : i32
    %mul3A_117 = arith.muli %arg1, %mul3A_116 : i32
    %add3A_118 = arith.constant 14336 : i32
    %add3A_119 = arith.addi %add3A_118, %mul3A_117 : i32
    %dma_start3A_120 = arith.constant 7 : i32
    %dma_start3A_121 = arith.constant 0 : i32
    %dma_start3A_122 = tpu.memref_slice %arg8[%dma_start3A_120, %dma_start3A_121] : memref<16x128xf32, #tpu.memory_space<vmem>> -> memref<1x128xf32, #tpu.memory_space<vmem>>
    %dma_start3A_123 = tpu.memref_squeeze %dma_start3A_122 : memref<1x128xf32, #tpu.memory_space<vmem>> -> memref<128xf32, #tpu.memory_space<vmem>>
    %dma_start3A_124 = tpu.memref_slice %arg12[%add3A_119] : memref<32768xf32, #tpu.memory_space<vmem_shared>> -> memref<128xf32, #tpu.memory_space<vmem_shared>>
    %dma_start3A_125 = arith.constant 0 : i32
    %dma_start3A_126 = tpu.memref_slice %arg8[%dma_start3A_120, %dma_start3A_125] : memref<16x128xf32, #tpu.memory_space<vmem>> -> memref<1x128xf32, #tpu.memory_space<vmem>>
    %dma_start3A_127 = tpu.memref_squeeze %dma_start3A_126 : memref<1x128xf32, #tpu.memory_space<vmem>> -> memref<128xf32, #tpu.memory_space<vmem>>
    %dma_start3A_128 = tpu.memref_slice %arg12[%add3A_119] : memref<32768xf32, #tpu.memory_space<vmem_shared>> -> memref<128xf32, #tpu.memory_space<vmem_shared>>
    tpu.enqueue_dma source(%dma_start3A_128 : memref<128xf32, #tpu.memory_space<vmem_shared>>) target(%dma_start3A_127 : memref<128xf32, #tpu.memory_space<vmem>>) target_semaphore(%arg14 : memref<!tpu.dma_semaphore, #tpu.memory_space<semaphore_mem>>)
    %mul3A_129 = arith.constant 128 : i32
    %mul3A_130 = arith.muli %arg1, %mul3A_129 : i32
    %add3A_131 = arith.constant 16384 : i32
    %add3A_132 = arith.addi %add3A_131, %mul3A_130 : i32
    %dma_start3A_133 = arith.constant 8 : i32
    %dma_start3A_134 = arith.constant 0 : i32
    %dma_start3A_135 = tpu.memref_slice %arg8[%dma_start3A_133, %dma_start3A_134] : memref<16x128xf32, #tpu.memory_space<vmem>> -> memref<1x128xf32, #tpu.memory_space<vmem>>
    %dma_start3A_136 = tpu.memref_squeeze %dma_start3A_135 : memref<1x128xf32, #tpu.memory_space<vmem>> -> memref<128xf32, #tpu.memory_space<vmem>>
    %dma_start3A_137 = tpu.memref_slice %arg12[%add3A_132] : memref<32768xf32, #tpu.memory_space<vmem_shared>> -> memref<128xf32, #tpu.memory_space<vmem_shared>>
    %dma_start3A_138 = arith.constant 0 : i32
    %dma_start3A_139 = tpu.memref_slice %arg8[%dma_start3A_133, %dma_start3A_138] : memref<16x128xf32, #tpu.memory_space<vmem>> -> memref<1x128xf32, #tpu.memory_space<vmem>>
    %dma_start3A_140 = tpu.memref_squeeze %dma_start3A_139 : memref<1x128xf32, #tpu.memory_space<vmem>> -> memref<128xf32, #tpu.memory_space<vmem>>
    %dma_start3A_141 = tpu.memref_slice %arg12[%add3A_132] : memref<32768xf32, #tpu.memory_space<vmem_shared>> -> memref<128xf32, #tpu.memory_space<vmem_shared>>
    tpu.enqueue_dma source(%dma_start3A_141 : memref<128xf32, #tpu.memory_space<vmem_shared>>) target(%dma_start3A_140 : memref<128xf32, #tpu.memory_space<vmem>>) target_semaphore(%arg14 : memref<!tpu.dma_semaphore, #tpu.memory_space<semaphore_mem>>)
    %mul3A_142 = arith.constant 128 : i32
    %mul3A_143 = arith.muli %arg1, %mul3A_142 : i32
    %add3A_144 = arith.constant 18432 : i32
    %add3A_145 = arith.addi %add3A_144, %mul3A_143 : i32
    %dma_start3A_146 = arith.constant 9 : i32
    %dma_start3A_147 = arith.constant 0 : i32
    %dma_start3A_148 = tpu.memref_slice %arg8[%dma_start3A_146, %dma_start3A_147] : memref<16x128xf32, #tpu.memory_space<vmem>> -> memref<1x128xf32, #tpu.memory_space<vmem>>
    %dma_start3A_149 = tpu.memref_squeeze %dma_start3A_148 : memref<1x128xf32, #tpu.memory_space<vmem>> -> memref<128xf32, #tpu.memory_space<vmem>>
    %dma_start3A_150 = tpu.memref_slice %arg12[%add3A_145] : memref<32768xf32, #tpu.memory_space<vmem_shared>> -> memref<128xf32, #tpu.memory_space<vmem_shared>>
    %dma_start3A_151 = arith.constant 0 : i32
    %dma_start3A_152 = tpu.memref_slice %arg8[%dma_start3A_146, %dma_start3A_151] : memref<16x128xf32, #tpu.memory_space<vmem>> -> memref<1x128xf32, #tpu.memory_space<vmem>>
    %dma_start3A_153 = tpu.memref_squeeze %dma_start3A_152 : memref<1x128xf32, #tpu.memory_space<vmem>> -> memref<128xf32, #tpu.memory_space<vmem>>
    %dma_start3A_154 = tpu.memref_slice %arg12[%add3A_145] : memref<32768xf32, #tpu.memory_space<vmem_shared>> -> memref<128xf32, #tpu.memory_space<vmem_shared>>
    tpu.enqueue_dma source(%dma_start3A_154 : memref<128xf32, #tpu.memory_space<vmem_shared>>) target(%dma_start3A_153 : memref<128xf32, #tpu.memory_space<vmem>>) target_semaphore(%arg14 : memref<!tpu.dma_semaphore, #tpu.memory_space<semaphore_mem>>)
    %mul3A_155 = arith.constant 128 : i32
    %mul3A_156 = arith.muli %arg1, %mul3A_155 : i32
    %add3A_157 = arith.constant 20480 : i32
    %add3A_158 = arith.addi %add3A_157, %mul3A_156 : i32
    %dma_start3A_159 = arith.constant 10 : i32
    %dma_start3A_160 = arith.constant 0 : i32
    %dma_start3A_161 = tpu.memref_slice %arg8[%dma_start3A_159, %dma_start3A_160] : memref<16x128xf32, #tpu.memory_space<vmem>> -> memref<1x128xf32, #tpu.memory_space<vmem>>
    %dma_start3A_162 = tpu.memref_squeeze %dma_start3A_161 : memref<1x128xf32, #tpu.memory_space<vmem>> -> memref<128xf32, #tpu.memory_space<vmem>>
    %dma_start3A_163 = tpu.memref_slice %arg12[%add3A_158] : memref<32768xf32, #tpu.memory_space<vmem_shared>> -> memref<128xf32, #tpu.memory_space<vmem_shared>>
    %dma_start3A_164 = arith.constant 0 : i32
    %dma_start3A_165 = tpu.memref_slice %arg8[%dma_start3A_159, %dma_start3A_164] : memref<16x128xf32, #tpu.memory_space<vmem>> -> memref<1x128xf32, #tpu.memory_space<vmem>>
    %dma_start3A_166 = tpu.memref_squeeze %dma_start3A_165 : memref<1x128xf32, #tpu.memory_space<vmem>> -> memref<128xf32, #tpu.memory_space<vmem>>
    %dma_start3A_167 = tpu.memref_slice %arg12[%add3A_158] : memref<32768xf32, #tpu.memory_space<vmem_shared>> -> memref<128xf32, #tpu.memory_space<vmem_shared>>
    tpu.enqueue_dma source(%dma_start3A_167 : memref<128xf32, #tpu.memory_space<vmem_shared>>) target(%dma_start3A_166 : memref<128xf32, #tpu.memory_space<vmem>>) target_semaphore(%arg14 : memref<!tpu.dma_semaphore, #tpu.memory_space<semaphore_mem>>)
    %mul3A_168 = arith.constant 128 : i32
    %mul3A_169 = arith.muli %arg1, %mul3A_168 : i32
    %add3A_170 = arith.constant 22528 : i32
    %add3A_171 = arith.addi %add3A_170, %mul3A_169 : i32
    %dma_start3A_172 = arith.constant 11 : i32
    %dma_start3A_173 = arith.constant 0 : i32
    %dma_start3A_174 = tpu.memref_slice %arg8[%dma_start3A_172, %dma_start3A_173] : memref<16x128xf32, #tpu.memory_space<vmem>> -> memref<1x128xf32, #tpu.memory_space<vmem>>
    %dma_start3A_175 = tpu.memref_squeeze %dma_start3A_174 : memref<1x128xf32, #tpu.memory_space<vmem>> -> memref<128xf32, #tpu.memory_space<vmem>>
    %dma_start3A_176 = tpu.memref_slice %arg12[%add3A_171] : memref<32768xf32, #tpu.memory_space<vmem_shared>> -> memref<128xf32, #tpu.memory_space<vmem_shared>>
    %dma_start3A_177 = arith.constant 0 : i32
    %dma_start3A_178 = tpu.memref_slice %arg8[%dma_start3A_172, %dma_start3A_177] : memref<16x128xf32, #tpu.memory_space<vmem>> -> memref<1x128xf32, #tpu.memory_space<vmem>>
    %dma_start3A_179 = tpu.memref_squeeze %dma_start3A_178 : memref<1x128xf32, #tpu.memory_space<vmem>> -> memref<128xf32, #tpu.memory_space<vmem>>
    %dma_start3A_180 = tpu.memref_slice %arg12[%add3A_171] : memref<32768xf32, #tpu.memory_space<vmem_shared>> -> memref<128xf32, #tpu.memory_space<vmem_shared>>
    tpu.enqueue_dma source(%dma_start3A_180 : memref<128xf32, #tpu.memory_space<vmem_shared>>) target(%dma_start3A_179 : memref<128xf32, #tpu.memory_space<vmem>>) target_semaphore(%arg14 : memref<!tpu.dma_semaphore, #tpu.memory_space<semaphore_mem>>)
    %mul3A_181 = arith.constant 128 : i32
    %mul3A_182 = arith.muli %arg1, %mul3A_181 : i32
    %add3A_183 = arith.constant 24576 : i32
    %add3A_184 = arith.addi %add3A_183, %mul3A_182 : i32
    %dma_start3A_185 = arith.constant 12 : i32
    %dma_start3A_186 = arith.constant 0 : i32
    %dma_start3A_187 = tpu.memref_slice %arg8[%dma_start3A_185, %dma_start3A_186] : memref<16x128xf32, #tpu.memory_space<vmem>> -> memref<1x128xf32, #tpu.memory_space<vmem>>
    %dma_start3A_188 = tpu.memref_squeeze %dma_start3A_187 : memref<1x128xf32, #tpu.memory_space<vmem>> -> memref<128xf32, #tpu.memory_space<vmem>>
    %dma_start3A_189 = tpu.memref_slice %arg12[%add3A_184] : memref<32768xf32, #tpu.memory_space<vmem_shared>> -> memref<128xf32, #tpu.memory_space<vmem_shared>>
    %dma_start3A_190 = arith.constant 0 : i32
    %dma_start3A_191 = tpu.memref_slice %arg8[%dma_start3A_185, %dma_start3A_190] : memref<16x128xf32, #tpu.memory_space<vmem>> -> memref<1x128xf32, #tpu.memory_space<vmem>>
    %dma_start3A_192 = tpu.memref_squeeze %dma_start3A_191 : memref<1x128xf32, #tpu.memory_space<vmem>> -> memref<128xf32, #tpu.memory_space<vmem>>
    %dma_start3A_193 = tpu.memref_slice %arg12[%add3A_184] : memref<32768xf32, #tpu.memory_space<vmem_shared>> -> memref<128xf32, #tpu.memory_space<vmem_shared>>
    tpu.enqueue_dma source(%dma_start3A_193 : memref<128xf32, #tpu.memory_space<vmem_shared>>) target(%dma_start3A_192 : memref<128xf32, #tpu.memory_space<vmem>>) target_semaphore(%arg14 : memref<!tpu.dma_semaphore, #tpu.memory_space<semaphore_mem>>)
    %mul3A_194 = arith.constant 128 : i32
    %mul3A_195 = arith.muli %arg1, %mul3A_194 : i32
    %add3A_196 = arith.constant 26624 : i32
    %add3A_197 = arith.addi %add3A_196, %mul3A_195 : i32
    %dma_start3A_198 = arith.constant 13 : i32
    %dma_start3A_199 = arith.constant 0 : i32
    %dma_start3A_200 = tpu.memref_slice %arg8[%dma_start3A_198, %dma_start3A_199] : memref<16x128xf32, #tpu.memory_space<vmem>> -> memref<1x128xf32, #tpu.memory_space<vmem>>
    %dma_start3A_201 = tpu.memref_squeeze %dma_start3A_200 : memref<1x128xf32, #tpu.memory_space<vmem>> -> memref<128xf32, #tpu.memory_space<vmem>>
    %dma_start3A_202 = tpu.memref_slice %arg12[%add3A_197] : memref<32768xf32, #tpu.memory_space<vmem_shared>> -> memref<128xf32, #tpu.memory_space<vmem_shared>>
    %dma_start3A_203 = arith.constant 0 : i32
    %dma_start3A_204 = tpu.memref_slice %arg8[%dma_start3A_198, %dma_start3A_203] : memref<16x128xf32, #tpu.memory_space<vmem>> -> memref<1x128xf32, #tpu.memory_space<vmem>>
    %dma_start3A_205 = tpu.memref_squeeze %dma_start3A_204 : memref<1x128xf32, #tpu.memory_space<vmem>> -> memref<128xf32, #tpu.memory_space<vmem>>
    %dma_start3A_206 = tpu.memref_slice %arg12[%add3A_197] : memref<32768xf32, #tpu.memory_space<vmem_shared>> -> memref<128xf32, #tpu.memory_space<vmem_shared>>
    tpu.enqueue_dma source(%dma_start3A_206 : memref<128xf32, #tpu.memory_space<vmem_shared>>) target(%dma_start3A_205 : memref<128xf32, #tpu.memory_space<vmem>>) target_semaphore(%arg14 : memref<!tpu.dma_semaphore, #tpu.memory_space<semaphore_mem>>)
    %mul3A_207 = arith.constant 128 : i32
    %mul3A_208 = arith.muli %arg1, %mul3A_207 : i32
    %add3A_209 = arith.constant 28672 : i32
    %add3A_210 = arith.addi %add3A_209, %mul3A_208 : i32
    %dma_start3A_211 = arith.constant 14 : i32
    %dma_start3A_212 = arith.constant 0 : i32
    %dma_start3A_213 = tpu.memref_slice %arg8[%dma_start3A_211, %dma_start3A_212] : memref<16x128xf32, #tpu.memory_space<vmem>> -> memref<1x128xf32, #tpu.memory_space<vmem>>
    %dma_start3A_214 = tpu.memref_squeeze %dma_start3A_213 : memref<1x128xf32, #tpu.memory_space<vmem>> -> memref<128xf32, #tpu.memory_space<vmem>>
    %dma_start3A_215 = tpu.memref_slice %arg12[%add3A_210] : memref<32768xf32, #tpu.memory_space<vmem_shared>> -> memref<128xf32, #tpu.memory_space<vmem_shared>>
    %dma_start3A_216 = arith.constant 0 : i32
    %dma_start3A_217 = tpu.memref_slice %arg8[%dma_start3A_211, %dma_start3A_216] : memref<16x128xf32, #tpu.memory_space<vmem>> -> memref<1x128xf32, #tpu.memory_space<vmem>>
    %dma_start3A_218 = tpu.memref_squeeze %dma_start3A_217 : memref<1x128xf32, #tpu.memory_space<vmem>> -> memref<128xf32, #tpu.memory_space<vmem>>
    %dma_start3A_219 = tpu.memref_slice %arg12[%add3A_210] : memref<32768xf32, #tpu.memory_space<vmem_shared>> -> memref<128xf32, #tpu.memory_space<vmem_shared>>
    tpu.enqueue_dma source(%dma_start3A_219 : memref<128xf32, #tpu.memory_space<vmem_shared>>) target(%dma_start3A_218 : memref<128xf32, #tpu.memory_space<vmem>>) target_semaphore(%arg14 : memref<!tpu.dma_semaphore, #tpu.memory_space<semaphore_mem>>)
    %mul3A_220 = arith.constant 128 : i32
    %mul3A_221 = arith.muli %arg1, %mul3A_220 : i32
    %add3A_222 = arith.constant 30720 : i32
    %add3A_223 = arith.addi %add3A_222, %mul3A_221 : i32
    %dma_start3A_224 = arith.constant 15 : i32
    %dma_start3A_225 = arith.constant 0 : i32
    %dma_start3A_226 = tpu.memref_slice %arg8[%dma_start3A_224, %dma_start3A_225] : memref<16x128xf32, #tpu.memory_space<vmem>> -> memref<1x128xf32, #tpu.memory_space<vmem>>
    %dma_start3A_227 = tpu.memref_squeeze %dma_start3A_226 : memref<1x128xf32, #tpu.memory_space<vmem>> -> memref<128xf32, #tpu.memory_space<vmem>>
    %dma_start3A_228 = tpu.memref_slice %arg12[%add3A_223] : memref<32768xf32, #tpu.memory_space<vmem_shared>> -> memref<128xf32, #tpu.memory_space<vmem_shared>>
    %dma_start3A_229 = arith.constant 0 : i32
    %dma_start3A_230 = tpu.memref_slice %arg8[%dma_start3A_224, %dma_start3A_229] : memref<16x128xf32, #tpu.memory_space<vmem>> -> memref<1x128xf32, #tpu.memory_space<vmem>>
    %dma_start3A_231 = tpu.memref_squeeze %dma_start3A_230 : memref<1x128xf32, #tpu.memory_space<vmem>> -> memref<128xf32, #tpu.memory_space<vmem>>
    %dma_start3A_232 = tpu.memref_slice %arg12[%add3A_223] : memref<32768xf32, #tpu.memory_space<vmem_shared>> -> memref<128xf32, #tpu.memory_space<vmem_shared>>
    tpu.enqueue_dma source(%dma_start3A_232 : memref<128xf32, #tpu.memory_space<vmem_shared>>) target(%dma_start3A_231 : memref<128xf32, #tpu.memory_space<vmem>>) target_semaphore(%arg14 : memref<!tpu.dma_semaphore, #tpu.memory_space<semaphore_mem>>)
    %dma_wait3A_233 = arith.constant 0 : i32
    %dma_wait3A_234 = arith.constant 0 : i32
    %dma_wait3A_235 = tpu.memref_slice %arg8[%dma_wait3A_233, %dma_wait3A_234] : memref<16x128xf32, #tpu.memory_space<vmem>> -> memref<1x128xf32, #tpu.memory_space<vmem>>
    %dma_wait3A_236 = tpu.memref_squeeze %dma_wait3A_235 : memref<1x128xf32, #tpu.memory_space<vmem>> -> memref<128xf32, #tpu.memory_space<vmem>>
    %dma_wait3A_237 = tpu.memref_slice %arg12[%add3A_28] : memref<32768xf32, #tpu.memory_space<vmem_shared>> -> memref<128xf32, #tpu.memory_space<vmem_shared>>
    %dma_wait3A_238 = arith.constant 0 : i32
    %dma_wait3A_239 = tpu.memref_slice %arg8[%dma_wait3A_233, %dma_wait3A_238] : memref<16x128xf32, #tpu.memory_space<vmem>> -> memref<1x128xf32, #tpu.memory_space<vmem>>
    %dma_wait3A_240 = tpu.memref_squeeze %dma_wait3A_239 : memref<1x128xf32, #tpu.memory_space<vmem>> -> memref<128xf32, #tpu.memory_space<vmem>>
    %dma_wait3A_241 = tpu.memref_slice %arg12[%add3A_28] : memref<32768xf32, #tpu.memory_space<vmem_shared>> -> memref<128xf32, #tpu.memory_space<vmem_shared>>
    tpu.wait_dma2 semaphore(%arg14 : memref<!tpu.dma_semaphore, #tpu.memory_space<semaphore_mem>>) src(%dma_wait3A_241 : memref<128xf32, #tpu.memory_space<vmem_shared>>) dst(%dma_wait3A_240 : memref<128xf32, #tpu.memory_space<vmem>>)
    %dma_wait3A_242 = arith.constant 1 : i32
    %dma_wait3A_243 = arith.constant 0 : i32
    %dma_wait3A_244 = tpu.memref_slice %arg8[%dma_wait3A_242, %dma_wait3A_243] : memref<16x128xf32, #tpu.memory_space<vmem>> -> memref<1x128xf32, #tpu.memory_space<vmem>>
    %dma_wait3A_245 = tpu.memref_squeeze %dma_wait3A_244 : memref<1x128xf32, #tpu.memory_space<vmem>> -> memref<128xf32, #tpu.memory_space<vmem>>
    %dma_wait3A_246 = tpu.memref_slice %arg12[%add3A_41] : memref<32768xf32, #tpu.memory_space<vmem_shared>> -> memref<128xf32, #tpu.memory_space<vmem_shared>>
    %dma_wait3A_247 = arith.constant 0 : i32
    %dma_wait3A_248 = tpu.memref_slice %arg8[%dma_wait3A_242, %dma_wait3A_247] : memref<16x128xf32, #tpu.memory_space<vmem>> -> memref<1x128xf32, #tpu.memory_space<vmem>>
    %dma_wait3A_249 = tpu.memref_squeeze %dma_wait3A_248 : memref<1x128xf32, #tpu.memory_space<vmem>> -> memref<128xf32, #tpu.memory_space<vmem>>
    %dma_wait3A_250 = tpu.memref_slice %arg12[%add3A_41] : memref<32768xf32, #tpu.memory_space<vmem_shared>> -> memref<128xf32, #tpu.memory_space<vmem_shared>>
    tpu.wait_dma2 semaphore(%arg14 : memref<!tpu.dma_semaphore, #tpu.memory_space<semaphore_mem>>) src(%dma_wait3A_250 : memref<128xf32, #tpu.memory_space<vmem_shared>>) dst(%dma_wait3A_249 : memref<128xf32, #tpu.memory_space<vmem>>)
    %dma_wait3A_251 = arith.constant 2 : i32
    %dma_wait3A_252 = arith.constant 0 : i32
    %dma_wait3A_253 = tpu.memref_slice %arg8[%dma_wait3A_251, %dma_wait3A_252] : memref<16x128xf32, #tpu.memory_space<vmem>> -> memref<1x128xf32, #tpu.memory_space<vmem>>
    %dma_wait3A_254 = tpu.memref_squeeze %dma_wait3A_253 : memref<1x128xf32, #tpu.memory_space<vmem>> -> memref<128xf32, #tpu.memory_space<vmem>>
    %dma_wait3A_255 = tpu.memref_slice %arg12[%add3A_54] : memref<32768xf32, #tpu.memory_space<vmem_shared>> -> memref<128xf32, #tpu.memory_space<vmem_shared>>
    %dma_wait3A_256 = arith.constant 0 : i32
    %dma_wait3A_257 = tpu.memref_slice %arg8[%dma_wait3A_251, %dma_wait3A_256] : memref<16x128xf32, #tpu.memory_space<vmem>> -> memref<1x128xf32, #tpu.memory_space<vmem>>
    %dma_wait3A_258 = tpu.memref_squeeze %dma_wait3A_257 : memref<1x128xf32, #tpu.memory_space<vmem>> -> memref<128xf32, #tpu.memory_space<vmem>>
    %dma_wait3A_259 = tpu.memref_slice %arg12[%add3A_54] : memref<32768xf32, #tpu.memory_space<vmem_shared>> -> memref<128xf32, #tpu.memory_space<vmem_shared>>
    tpu.wait_dma2 semaphore(%arg14 : memref<!tpu.dma_semaphore, #tpu.memory_space<semaphore_mem>>) src(%dma_wait3A_259 : memref<128xf32, #tpu.memory_space<vmem_shared>>) dst(%dma_wait3A_258 : memref<128xf32, #tpu.memory_space<vmem>>)
    %dma_wait3A_260 = arith.constant 3 : i32
    %dma_wait3A_261 = arith.constant 0 : i32
    %dma_wait3A_262 = tpu.memref_slice %arg8[%dma_wait3A_260, %dma_wait3A_261] : memref<16x128xf32, #tpu.memory_space<vmem>> -> memref<1x128xf32, #tpu.memory_space<vmem>>
    %dma_wait3A_263 = tpu.memref_squeeze %dma_wait3A_262 : memref<1x128xf32, #tpu.memory_space<vmem>> -> memref<128xf32, #tpu.memory_space<vmem>>
    %dma_wait3A_264 = tpu.memref_slice %arg12[%add3A_67] : memref<32768xf32, #tpu.memory_space<vmem_shared>> -> memref<128xf32, #tpu.memory_space<vmem_shared>>
    %dma_wait3A_265 = arith.constant 0 : i32
    %dma_wait3A_266 = tpu.memref_slice %arg8[%dma_wait3A_260, %dma_wait3A_265] : memref<16x128xf32, #tpu.memory_space<vmem>> -> memref<1x128xf32, #tpu.memory_space<vmem>>
    %dma_wait3A_267 = tpu.memref_squeeze %dma_wait3A_266 : memref<1x128xf32, #tpu.memory_space<vmem>> -> memref<128xf32, #tpu.memory_space<vmem>>
    %dma_wait3A_268 = tpu.memref_slice %arg12[%add3A_67] : memref<32768xf32, #tpu.memory_space<vmem_shared>> -> memref<128xf32, #tpu.memory_space<vmem_shared>>
    tpu.wait_dma2 semaphore(%arg14 : memref<!tpu.dma_semaphore, #tpu.memory_space<semaphore_mem>>) src(%dma_wait3A_268 : memref<128xf32, #tpu.memory_space<vmem_shared>>) dst(%dma_wait3A_267 : memref<128xf32, #tpu.memory_space<vmem>>)
    %dma_wait3A_269 = arith.constant 4 : i32
    %dma_wait3A_270 = arith.constant 0 : i32
    %dma_wait3A_271 = tpu.memref_slice %arg8[%dma_wait3A_269, %dma_wait3A_270] : memref<16x128xf32, #tpu.memory_space<vmem>> -> memref<1x128xf32, #tpu.memory_space<vmem>>
    %dma_wait3A_272 = tpu.memref_squeeze %dma_wait3A_271 : memref<1x128xf32, #tpu.memory_space<vmem>> -> memref<128xf32, #tpu.memory_space<vmem>>
    %dma_wait3A_273 = tpu.memref_slice %arg12[%add3A_80] : memref<32768xf32, #tpu.memory_space<vmem_shared>> -> memref<128xf32, #tpu.memory_space<vmem_shared>>
    %dma_wait3A_274 = arith.constant 0 : i32
    %dma_wait3A_275 = tpu.memref_slice %arg8[%dma_wait3A_269, %dma_wait3A_274] : memref<16x128xf32, #tpu.memory_space<vmem>> -> memref<1x128xf32, #tpu.memory_space<vmem>>
    %dma_wait3A_276 = tpu.memref_squeeze %dma_wait3A_275 : memref<1x128xf32, #tpu.memory_space<vmem>> -> memref<128xf32, #tpu.memory_space<vmem>>
    %dma_wait3A_277 = tpu.memref_slice %arg12[%add3A_80] : memref<32768xf32, #tpu.memory_space<vmem_shared>> -> memref<128xf32, #tpu.memory_space<vmem_shared>>
    tpu.wait_dma2 semaphore(%arg14 : memref<!tpu.dma_semaphore, #tpu.memory_space<semaphore_mem>>) src(%dma_wait3A_277 : memref<128xf32, #tpu.memory_space<vmem_shared>>) dst(%dma_wait3A_276 : memref<128xf32, #tpu.memory_space<vmem>>)
    %dma_wait3A_278 = arith.constant 5 : i32
    %dma_wait3A_279 = arith.constant 0 : i32
    %dma_wait3A_280 = tpu.memref_slice %arg8[%dma_wait3A_278, %dma_wait3A_279] : memref<16x128xf32, #tpu.memory_space<vmem>> -> memref<1x128xf32, #tpu.memory_space<vmem>>
    %dma_wait3A_281 = tpu.memref_squeeze %dma_wait3A_280 : memref<1x128xf32, #tpu.memory_space<vmem>> -> memref<128xf32, #tpu.memory_space<vmem>>
    %dma_wait3A_282 = tpu.memref_slice %arg12[%add3A_93] : memref<32768xf32, #tpu.memory_space<vmem_shared>> -> memref<128xf32, #tpu.memory_space<vmem_shared>>
    %dma_wait3A_283 = arith.constant 0 : i32
    %dma_wait3A_284 = tpu.memref_slice %arg8[%dma_wait3A_278, %dma_wait3A_283] : memref<16x128xf32, #tpu.memory_space<vmem>> -> memref<1x128xf32, #tpu.memory_space<vmem>>
    %dma_wait3A_285 = tpu.memref_squeeze %dma_wait3A_284 : memref<1x128xf32, #tpu.memory_space<vmem>> -> memref<128xf32, #tpu.memory_space<vmem>>
    %dma_wait3A_286 = tpu.memref_slice %arg12[%add3A_93] : memref<32768xf32, #tpu.memory_space<vmem_shared>> -> memref<128xf32, #tpu.memory_space<vmem_shared>>
    tpu.wait_dma2 semaphore(%arg14 : memref<!tpu.dma_semaphore, #tpu.memory_space<semaphore_mem>>) src(%dma_wait3A_286 : memref<128xf32, #tpu.memory_space<vmem_shared>>) dst(%dma_wait3A_285 : memref<128xf32, #tpu.memory_space<vmem>>)
    %dma_wait3A_287 = arith.constant 6 : i32
    %dma_wait3A_288 = arith.constant 0 : i32
    %dma_wait3A_289 = tpu.memref_slice %arg8[%dma_wait3A_287, %dma_wait3A_288] : memref<16x128xf32, #tpu.memory_space<vmem>> -> memref<1x128xf32, #tpu.memory_space<vmem>>
    %dma_wait3A_290 = tpu.memref_squeeze %dma_wait3A_289 : memref<1x128xf32, #tpu.memory_space<vmem>> -> memref<128xf32, #tpu.memory_space<vmem>>
    %dma_wait3A_291 = tpu.memref_slice %arg12[%add3A_106] : memref<32768xf32, #tpu.memory_space<vmem_shared>> -> memref<128xf32, #tpu.memory_space<vmem_shared>>
    %dma_wait3A_292 = arith.constant 0 : i32
    %dma_wait3A_293 = tpu.memref_slice %arg8[%dma_wait3A_287, %dma_wait3A_292] : memref<16x128xf32, #tpu.memory_space<vmem>> -> memref<1x128xf32, #tpu.memory_space<vmem>>
    %dma_wait3A_294 = tpu.memref_squeeze %dma_wait3A_293 : memref<1x128xf32, #tpu.memory_space<vmem>> -> memref<128xf32, #tpu.memory_space<vmem>>
    %dma_wait3A_295 = tpu.memref_slice %arg12[%add3A_106] : memref<32768xf32, #tpu.memory_space<vmem_shared>> -> memref<128xf32, #tpu.memory_space<vmem_shared>>
    tpu.wait_dma2 semaphore(%arg14 : memref<!tpu.dma_semaphore, #tpu.memory_space<semaphore_mem>>) src(%dma_wait3A_295 : memref<128xf32, #tpu.memory_space<vmem_shared>>) dst(%dma_wait3A_294 : memref<128xf32, #tpu.memory_space<vmem>>)
    %dma_wait3A_296 = arith.constant 7 : i32
    %dma_wait3A_297 = arith.constant 0 : i32
    %dma_wait3A_298 = tpu.memref_slice %arg8[%dma_wait3A_296, %dma_wait3A_297] : memref<16x128xf32, #tpu.memory_space<vmem>> -> memref<1x128xf32, #tpu.memory_space<vmem>>
    %dma_wait3A_299 = tpu.memref_squeeze %dma_wait3A_298 : memref<1x128xf32, #tpu.memory_space<vmem>> -> memref<128xf32, #tpu.memory_space<vmem>>
    %dma_wait3A_300 = tpu.memref_slice %arg12[%add3A_119] : memref<32768xf32, #tpu.memory_space<vmem_shared>> -> memref<128xf32, #tpu.memory_space<vmem_shared>>
    %dma_wait3A_301 = arith.constant 0 : i32
    %dma_wait3A_302 = tpu.memref_slice %arg8[%dma_wait3A_296, %dma_wait3A_301] : memref<16x128xf32, #tpu.memory_space<vmem>> -> memref<1x128xf32, #tpu.memory_space<vmem>>
    %dma_wait3A_303 = tpu.memref_squeeze %dma_wait3A_302 : memref<1x128xf32, #tpu.memory_space<vmem>> -> memref<128xf32, #tpu.memory_space<vmem>>
    %dma_wait3A_304 = tpu.memref_slice %arg12[%add3A_119] : memref<32768xf32, #tpu.memory_space<vmem_shared>> -> memref<128xf32, #tpu.memory_space<vmem_shared>>
    tpu.wait_dma2 semaphore(%arg14 : memref<!tpu.dma_semaphore, #tpu.memory_space<semaphore_mem>>) src(%dma_wait3A_304 : memref<128xf32, #tpu.memory_space<vmem_shared>>) dst(%dma_wait3A_303 : memref<128xf32, #tpu.memory_space<vmem>>)
    %dma_wait3A_305 = arith.constant 8 : i32
    %dma_wait3A_306 = arith.constant 0 : i32
    %dma_wait3A_307 = tpu.memref_slice %arg8[%dma_wait3A_305, %dma_wait3A_306] : memref<16x128xf32, #tpu.memory_space<vmem>> -> memref<1x128xf32, #tpu.memory_space<vmem>>
    %dma_wait3A_308 = tpu.memref_squeeze %dma_wait3A_307 : memref<1x128xf32, #tpu.memory_space<vmem>> -> memref<128xf32, #tpu.memory_space<vmem>>
    %dma_wait3A_309 = tpu.memref_slice %arg12[%add3A_132] : memref<32768xf32, #tpu.memory_space<vmem_shared>> -> memref<128xf32, #tpu.memory_space<vmem_shared>>
    %dma_wait3A_310 = arith.constant 0 : i32
    %dma_wait3A_311 = tpu.memref_slice %arg8[%dma_wait3A_305, %dma_wait3A_310] : memref<16x128xf32, #tpu.memory_space<vmem>> -> memref<1x128xf32, #tpu.memory_space<vmem>>
    %dma_wait3A_312 = tpu.memref_squeeze %dma_wait3A_311 : memref<1x128xf32, #tpu.memory_space<vmem>> -> memref<128xf32, #tpu.memory_space<vmem>>
    %dma_wait3A_313 = tpu.memref_slice %arg12[%add3A_132] : memref<32768xf32, #tpu.memory_space<vmem_shared>> -> memref<128xf32, #tpu.memory_space<vmem_shared>>
    tpu.wait_dma2 semaphore(%arg14 : memref<!tpu.dma_semaphore, #tpu.memory_space<semaphore_mem>>) src(%dma_wait3A_313 : memref<128xf32, #tpu.memory_space<vmem_shared>>) dst(%dma_wait3A_312 : memref<128xf32, #tpu.memory_space<vmem>>)
    %dma_wait3A_314 = arith.constant 9 : i32
    %dma_wait3A_315 = arith.constant 0 : i32
    %dma_wait3A_316 = tpu.memref_slice %arg8[%dma_wait3A_314, %dma_wait3A_315] : memref<16x128xf32, #tpu.memory_space<vmem>> -> memref<1x128xf32, #tpu.memory_space<vmem>>
    %dma_wait3A_317 = tpu.memref_squeeze %dma_wait3A_316 : memref<1x128xf32, #tpu.memory_space<vmem>> -> memref<128xf32, #tpu.memory_space<vmem>>
    %dma_wait3A_318 = tpu.memref_slice %arg12[%add3A_145] : memref<32768xf32, #tpu.memory_space<vmem_shared>> -> memref<128xf32, #tpu.memory_space<vmem_shared>>
    %dma_wait3A_319 = arith.constant 0 : i32
    %dma_wait3A_320 = tpu.memref_slice %arg8[%dma_wait3A_314, %dma_wait3A_319] : memref<16x128xf32, #tpu.memory_space<vmem>> -> memref<1x128xf32, #tpu.memory_space<vmem>>
    %dma_wait3A_321 = tpu.memref_squeeze %dma_wait3A_320 : memref<1x128xf32, #tpu.memory_space<vmem>> -> memref<128xf32, #tpu.memory_space<vmem>>
    %dma_wait3A_322 = tpu.memref_slice %arg12[%add3A_145] : memref<32768xf32, #tpu.memory_space<vmem_shared>> -> memref<128xf32, #tpu.memory_space<vmem_shared>>
    tpu.wait_dma2 semaphore(%arg14 : memref<!tpu.dma_semaphore, #tpu.memory_space<semaphore_mem>>) src(%dma_wait3A_322 : memref<128xf32, #tpu.memory_space<vmem_shared>>) dst(%dma_wait3A_321 : memref<128xf32, #tpu.memory_space<vmem>>)
    %dma_wait3A_323 = arith.constant 10 : i32
    %dma_wait3A_324 = arith.constant 0 : i32
    %dma_wait3A_325 = tpu.memref_slice %arg8[%dma_wait3A_323, %dma_wait3A_324] : memref<16x128xf32, #tpu.memory_space<vmem>> -> memref<1x128xf32, #tpu.memory_space<vmem>>
    %dma_wait3A_326 = tpu.memref_squeeze %dma_wait3A_325 : memref<1x128xf32, #tpu.memory_space<vmem>> -> memref<128xf32, #tpu.memory_space<vmem>>
    %dma_wait3A_327 = tpu.memref_slice %arg12[%add3A_158] : memref<32768xf32, #tpu.memory_space<vmem_shared>> -> memref<128xf32, #tpu.memory_space<vmem_shared>>
    %dma_wait3A_328 = arith.constant 0 : i32
    %dma_wait3A_329 = tpu.memref_slice %arg8[%dma_wait3A_323, %dma_wait3A_328] : memref<16x128xf32, #tpu.memory_space<vmem>> -> memref<1x128xf32, #tpu.memory_space<vmem>>
    %dma_wait3A_330 = tpu.memref_squeeze %dma_wait3A_329 : memref<1x128xf32, #tpu.memory_space<vmem>> -> memref<128xf32, #tpu.memory_space<vmem>>
    %dma_wait3A_331 = tpu.memref_slice %arg12[%add3A_158] : memref<32768xf32, #tpu.memory_space<vmem_shared>> -> memref<128xf32, #tpu.memory_space<vmem_shared>>
    tpu.wait_dma2 semaphore(%arg14 : memref<!tpu.dma_semaphore, #tpu.memory_space<semaphore_mem>>) src(%dma_wait3A_331 : memref<128xf32, #tpu.memory_space<vmem_shared>>) dst(%dma_wait3A_330 : memref<128xf32, #tpu.memory_space<vmem>>)
    %dma_wait3A_332 = arith.constant 11 : i32
    %dma_wait3A_333 = arith.constant 0 : i32
    %dma_wait3A_334 = tpu.memref_slice %arg8[%dma_wait3A_332, %dma_wait3A_333] : memref<16x128xf32, #tpu.memory_space<vmem>> -> memref<1x128xf32, #tpu.memory_space<vmem>>
    %dma_wait3A_335 = tpu.memref_squeeze %dma_wait3A_334 : memref<1x128xf32, #tpu.memory_space<vmem>> -> memref<128xf32, #tpu.memory_space<vmem>>
    %dma_wait3A_336 = tpu.memref_slice %arg12[%add3A_171] : memref<32768xf32, #tpu.memory_space<vmem_shared>> -> memref<128xf32, #tpu.memory_space<vmem_shared>>
    %dma_wait3A_337 = arith.constant 0 : i32
    %dma_wait3A_338 = tpu.memref_slice %arg8[%dma_wait3A_332, %dma_wait3A_337] : memref<16x128xf32, #tpu.memory_space<vmem>> -> memref<1x128xf32, #tpu.memory_space<vmem>>
    %dma_wait3A_339 = tpu.memref_squeeze %dma_wait3A_338 : memref<1x128xf32, #tpu.memory_space<vmem>> -> memref<128xf32, #tpu.memory_space<vmem>>
    %dma_wait3A_340 = tpu.memref_slice %arg12[%add3A_171] : memref<32768xf32, #tpu.memory_space<vmem_shared>> -> memref<128xf32, #tpu.memory_space<vmem_shared>>
    tpu.wait_dma2 semaphore(%arg14 : memref<!tpu.dma_semaphore, #tpu.memory_space<semaphore_mem>>) src(%dma_wait3A_340 : memref<128xf32, #tpu.memory_space<vmem_shared>>) dst(%dma_wait3A_339 : memref<128xf32, #tpu.memory_space<vmem>>)
    %dma_wait3A_341 = arith.constant 12 : i32
    %dma_wait3A_342 = arith.constant 0 : i32
    %dma_wait3A_343 = tpu.memref_slice %arg8[%dma_wait3A_341, %dma_wait3A_342] : memref<16x128xf32, #tpu.memory_space<vmem>> -> memref<1x128xf32, #tpu.memory_space<vmem>>
    %dma_wait3A_344 = tpu.memref_squeeze %dma_wait3A_343 : memref<1x128xf32, #tpu.memory_space<vmem>> -> memref<128xf32, #tpu.memory_space<vmem>>
    %dma_wait3A_345 = tpu.memref_slice %arg12[%add3A_184] : memref<32768xf32, #tpu.memory_space<vmem_shared>> -> memref<128xf32, #tpu.memory_space<vmem_shared>>
    %dma_wait3A_346 = arith.constant 0 : i32
    %dma_wait3A_347 = tpu.memref_slice %arg8[%dma_wait3A_341, %dma_wait3A_346] : memref<16x128xf32, #tpu.memory_space<vmem>> -> memref<1x128xf32, #tpu.memory_space<vmem>>
    %dma_wait3A_348 = tpu.memref_squeeze %dma_wait3A_347 : memref<1x128xf32, #tpu.memory_space<vmem>> -> memref<128xf32, #tpu.memory_space<vmem>>
    %dma_wait3A_349 = tpu.memref_slice %arg12[%add3A_184] : memref<32768xf32, #tpu.memory_space<vmem_shared>> -> memref<128xf32, #tpu.memory_space<vmem_shared>>
    tpu.wait_dma2 semaphore(%arg14 : memref<!tpu.dma_semaphore, #tpu.memory_space<semaphore_mem>>) src(%dma_wait3A_349 : memref<128xf32, #tpu.memory_space<vmem_shared>>) dst(%dma_wait3A_348 : memref<128xf32, #tpu.memory_space<vmem>>)
    %dma_wait3A_350 = arith.constant 13 : i32
    %dma_wait3A_351 = arith.constant 0 : i32
    %dma_wait3A_352 = tpu.memref_slice %arg8[%dma_wait3A_350, %dma_wait3A_351] : memref<16x128xf32, #tpu.memory_space<vmem>> -> memref<1x128xf32, #tpu.memory_space<vmem>>
    %dma_wait3A_353 = tpu.memref_squeeze %dma_wait3A_352 : memref<1x128xf32, #tpu.memory_space<vmem>> -> memref<128xf32, #tpu.memory_space<vmem>>
    %dma_wait3A_354 = tpu.memref_slice %arg12[%add3A_197] : memref<32768xf32, #tpu.memory_space<vmem_shared>> -> memref<128xf32, #tpu.memory_space<vmem_shared>>
    %dma_wait3A_355 = arith.constant 0 : i32
    %dma_wait3A_356 = tpu.memref_slice %arg8[%dma_wait3A_350, %dma_wait3A_355] : memref<16x128xf32, #tpu.memory_space<vmem>> -> memref<1x128xf32, #tpu.memory_space<vmem>>
    %dma_wait3A_357 = tpu.memref_squeeze %dma_wait3A_356 : memref<1x128xf32, #tpu.memory_space<vmem>> -> memref<128xf32, #tpu.memory_space<vmem>>
    %dma_wait3A_358 = tpu.memref_slice %arg12[%add3A_197] : memref<32768xf32, #tpu.memory_space<vmem_shared>> -> memref<128xf32, #tpu.memory_space<vmem_shared>>
    tpu.wait_dma2 semaphore(%arg14 : memref<!tpu.dma_semaphore, #tpu.memory_space<semaphore_mem>>) src(%dma_wait3A_358 : memref<128xf32, #tpu.memory_space<vmem_shared>>) dst(%dma_wait3A_357 : memref<128xf32, #tpu.memory_space<vmem>>)
    %dma_wait3A_359 = arith.constant 14 : i32
    %dma_wait3A_360 = arith.constant 0 : i32
    %dma_wait3A_361 = tpu.memref_slice %arg8[%dma_wait3A_359, %dma_wait3A_360] : memref<16x128xf32, #tpu.memory_space<vmem>> -> memref<1x128xf32, #tpu.memory_space<vmem>>
    %dma_wait3A_362 = tpu.memref_squeeze %dma_wait3A_361 : memref<1x128xf32, #tpu.memory_space<vmem>> -> memref<128xf32, #tpu.memory_space<vmem>>
    %dma_wait3A_363 = tpu.memref_slice %arg12[%add3A_210] : memref<32768xf32, #tpu.memory_space<vmem_shared>> -> memref<128xf32, #tpu.memory_space<vmem_shared>>
    %dma_wait3A_364 = arith.constant 0 : i32
    %dma_wait3A_365 = tpu.memref_slice %arg8[%dma_wait3A_359, %dma_wait3A_364] : memref<16x128xf32, #tpu.memory_space<vmem>> -> memref<1x128xf32, #tpu.memory_space<vmem>>
    %dma_wait3A_366 = tpu.memref_squeeze %dma_wait3A_365 : memref<1x128xf32, #tpu.memory_space<vmem>> -> memref<128xf32, #tpu.memory_space<vmem>>
    %dma_wait3A_367 = tpu.memref_slice %arg12[%add3A_210] : memref<32768xf32, #tpu.memory_space<vmem_shared>> -> memref<128xf32, #tpu.memory_space<vmem_shared>>
    tpu.wait_dma2 semaphore(%arg14 : memref<!tpu.dma_semaphore, #tpu.memory_space<semaphore_mem>>) src(%dma_wait3A_367 : memref<128xf32, #tpu.memory_space<vmem_shared>>) dst(%dma_wait3A_366 : memref<128xf32, #tpu.memory_space<vmem>>)
    %dma_wait3A_368 = arith.constant 15 : i32
    %dma_wait3A_369 = arith.constant 0 : i32
    %dma_wait3A_370 = tpu.memref_slice %arg8[%dma_wait3A_368, %dma_wait3A_369] : memref<16x128xf32, #tpu.memory_space<vmem>> -> memref<1x128xf32, #tpu.memory_space<vmem>>
    %dma_wait3A_371 = tpu.memref_squeeze %dma_wait3A_370 : memref<1x128xf32, #tpu.memory_space<vmem>> -> memref<128xf32, #tpu.memory_space<vmem>>
    %dma_wait3A_372 = tpu.memref_slice %arg12[%add3A_223] : memref<32768xf32, #tpu.memory_space<vmem_shared>> -> memref<128xf32, #tpu.memory_space<vmem_shared>>
    %dma_wait3A_373 = arith.constant 0 : i32
    %dma_wait3A_374 = tpu.memref_slice %arg8[%dma_wait3A_368, %dma_wait3A_373] : memref<16x128xf32, #tpu.memory_space<vmem>> -> memref<1x128xf32, #tpu.memory_space<vmem>>
    %dma_wait3A_375 = tpu.memref_squeeze %dma_wait3A_374 : memref<1x128xf32, #tpu.memory_space<vmem>> -> memref<128xf32, #tpu.memory_space<vmem>>
    %dma_wait3A_376 = tpu.memref_slice %arg12[%add3A_223] : memref<32768xf32, #tpu.memory_space<vmem_shared>> -> memref<128xf32, #tpu.memory_space<vmem_shared>>
    tpu.wait_dma2 semaphore(%arg14 : memref<!tpu.dma_semaphore, #tpu.memory_space<semaphore_mem>>) src(%dma_wait3A_376 : memref<128xf32, #tpu.memory_space<vmem_shared>>) dst(%dma_wait3A_375 : memref<128xf32, #tpu.memory_space<vmem>>)
    %get3A = arith.constant 0 : i32
    %get3A_377 = arith.index_cast %get3A : i32 to index
    %get3A_378 = arith.constant 0 : index
    %get3A_379 = tpu.vector_load %arg8[%get3A_377, %get3A_378] {strides = array<i32>} : memref<16x128xf32, #tpu.memory_space<vmem>>, vector<16xf32>,
    %get3A_380 = arith.constant 1 : i32
    %get3A_381 = arith.index_cast %get3A_380 : i32 to index
    %get3A_382 = arith.constant 0 : index
    %get3A_383 = tpu.vector_load %arg8[%get3A_381, %get3A_382] {strides = array<i32>} : memref<16x128xf32, #tpu.memory_space<vmem>>, vector<16xf32>,
    %add3A_384 = arith.addf %get3A_379, %get3A_383 : vector<16xf32>
    %get3A_385 = arith.constant 2 : i32
    %get3A_386 = arith.index_cast %get3A_385 : i32 to index
    %get3A_387 = arith.constant 0 : index
    %get3A_388 = tpu.vector_load %arg8[%get3A_386, %get3A_387] {strides = array<i32>} : memref<16x128xf32, #tpu.memory_space<vmem>>, vector<16xf32>,
    %add3A_389 = arith.addf %add3A_384, %get3A_388 : vector<16xf32>
    %get3A_390 = arith.constant 3 : i32
    %get3A_391 = arith.index_cast %get3A_390 : i32 to index
    %get3A_392 = arith.constant 0 : index
    %get3A_393 = tpu.vector_load %arg8[%get3A_391, %get3A_392] {strides = array<i32>} : memref<16x128xf32, #tpu.memory_space<vmem>>, vector<16xf32>,
    %add3A_394 = arith.addf %add3A_389, %get3A_393 : vector<16xf32>
    %get3A_395 = arith.constant 4 : i32
    %get3A_396 = arith.index_cast %get3A_395 : i32 to index
    %get3A_397 = arith.constant 0 : index
    %get3A_398 = tpu.vector_load %arg8[%get3A_396, %get3A_397] {strides = array<i32>} : memref<16x128xf32, #tpu.memory_space<vmem>>, vector<16xf32>,
    %add3A_399 = arith.addf %add3A_394, %get3A_398 : vector<16xf32>
    %get3A_400 = arith.constant 5 : i32
    %get3A_401 = arith.index_cast %get3A_400 : i32 to index
    %get3A_402 = arith.constant 0 : index
    %get3A_403 = tpu.vector_load %arg8[%get3A_401, %get3A_402] {strides = array<i32>} : memref<16x128xf32, #tpu.memory_space<vmem>>, vector<16xf32>,
    %add3A_404 = arith.addf %add3A_399, %get3A_403 : vector<16xf32>
    %get3A_405 = arith.constant 6 : i32
    %get3A_406 = arith.index_cast %get3A_405 : i32 to index
    %get3A_407 = arith.constant 0 : index
    %get3A_408 = tpu.vector_load %arg8[%get3A_406, %get3A_407] {strides = array<i32>} : memref<16x128xf32, #tpu.memory_space<vmem>>, vector<16xf32>,
    %add3A_409 = arith.addf %add3A_404, %get3A_408 : vector<16xf32>
    %get3A_410 = arith.constant 7 : i32
    %get3A_411 = arith.index_cast %get3A_410 : i32 to index
    %get3A_412 = arith.constant 0 : index
    %get3A_413 = tpu.vector_load %arg8[%get3A_411, %get3A_412] {strides = array<i32>} : memref<16x128xf32, #tpu.memory_space<vmem>>, vector<16xf32>,
    %add3A_414 = arith.addf %add3A_409, %get3A_413 : vector<16xf32>
    %get3A_415 = arith.constant 8 : i32
    %get3A_416 = arith.index_cast %get3A_415 : i32 to index
    %get3A_417 = arith.constant 0 : index
    %get3A_418 = tpu.vector_load %arg8[%get3A_416, %get3A_417] {strides = array<i32>} : memref<16x128xf32, #tpu.memory_space<vmem>>, vector<16xf32>,
    %add3A_419 = arith.addf %add3A_414, %get3A_418 : vector<16xf32>
    %get3A_420 = arith.constant 9 : i32
    %get3A_421 = arith.index_cast %get3A_420 : i32 to index
    %get3A_422 = arith.constant 0 : index
    %get3A_423 = tpu.vector_load %arg8[%get3A_421, %get3A_422] {strides = array<i32>} : memref<16x128xf32, #tpu.memory_space<vmem>>, vector<16xf32>,
    %add3A_424 = arith.addf %add3A_419, %get3A_423 : vector<16xf32>
    %get3A_425 = arith.constant 10 : i32
    %get3A_426 = arith.index_cast %get3A_425 : i32 to index
    %get3A_427 = arith.constant 0 : index
    %get3A_428 = tpu.vector_load %arg8[%get3A_426, %get3A_427] {strides = array<i32>} : memref<16x128xf32, #tpu.memory_space<vmem>>, vector<16xf32>,
    %add3A_429 = arith.addf %add3A_424, %get3A_428 : vector<16xf32>
    %get3A_430 = arith.constant 11 : i32
    %get3A_431 = arith.index_cast %get3A_430 : i32 to index
    %get3A_432 = arith.constant 0 : index
    %get3A_433 = tpu.vector_load %arg8[%get3A_431, %get3A_432] {strides = array<i32>} : memref<16x128xf32, #tpu.memory_space<vmem>>, vector<16xf32>,
    %add3A_434 = arith.addf %add3A_429, %get3A_433 : vector<16xf32>
    %get3A_435 = arith.constant 12 : i32
    %get3A_436 = arith.index_cast %get3A_435 : i32 to index
    %get3A_437 = arith.constant 0 : index
    %get3A_438 = tpu.vector_load %arg8[%get3A_436, %get3A_437] {strides = array<i32>} : memref<16x128xf32, #tpu.memory_space<vmem>>, vector<16xf32>,
    %add3A_439 = arith.addf %add3A_434, %get3A_438 : vector<16xf32>
    %get3A_440 = arith.constant 13 : i32
    %get3A_441 = arith.index_cast %get3A_440 : i32 to index
    %get3A_442 = arith.constant 0 : index
    %get3A_443 = tpu.vector_load %arg8[%get3A_441, %get3A_442] {strides = array<i32>} : memref<16x128xf32, #tpu.memory_space<vmem>>, vector<16xf32>,
    %add3A_444 = arith.addf %add3A_439, %get3A_443 : vector<16xf32>
    %get3A_445 = arith.constant 14 : i32
    %get3A_446 = arith.index_cast %get3A_445 : i32 to index
    %get3A_447 = arith.constant 0 : index
    %get3A_448 = tpu.vector_load %arg8[%get3A_446, %get3A_447] {strides = array<i32>} : memref<16x128xf32, #tpu.memory_space<vmem>>, vector<16xf32>,
    %add3A_449 = arith.addf %add3A_444, %get3A_448 : vector<16xf32>
    %get3A_450 = arith.constant 15 : i32
    %get3A_451 = arith.index_cast %get3A_450 : i32 to index
    %get3A_452 = arith.constant 0 : index
    %get3A_453 = tpu.vector_load %arg8[%get3A_451, %get3A_452] {strides = array<i32>} : memref<16x128xf32, #tpu.memory_space<vmem>>, vector<16xf32>,
    %add3A_454 = arith.addf %add3A_449, %get3A_453 : vector<16xf32>
    %swap3A = arith.constant 0 : index
    %swap3A_455 = tpu.vector_load %arg9[%swap3A] {strides = array<i32>} : memref<128xf32, #tpu.memory_space<vmem>>, vector<16xf32>,
    tpu.vector_store %arg9[%swap3A], %add3A_454 {strides = array<i32>} : memref<128xf32, #tpu.memory_space<vmem>>, vector<16xf32>,
    %get3A_456 = arith.constant 0 : i32
    %get3A_457 = arith.index_cast %get3A_456 : i32 to index
    %get3A_458 = arith.constant 16 : index
    %get3A_459 = tpu.vector_load %arg8[%get3A_457, %get3A_458] {strides = array<i32>} : memref<16x128xf32, #tpu.memory_space<vmem>>, vector<16xf32>,
    %get3A_460 = arith.constant 1 : i32
    %get3A_461 = arith.index_cast %get3A_460 : i32 to index
    %get3A_462 = arith.constant 16 : index
    %get3A_463 = tpu.vector_load %arg8[%get3A_461, %get3A_462] {strides = array<i32>} : memref<16x128xf32, #tpu.memory_space<vmem>>, vector<16xf32>,
    %add3A_464 = arith.addf %get3A_459, %get3A_463 : vector<16xf32>
    %get3A_465 = arith.constant 2 : i32
    %get3A_466 = arith.index_cast %get3A_465 : i32 to index
    %get3A_467 = arith.constant 16 : index
    %get3A_468 = tpu.vector_load %arg8[%get3A_466, %get3A_467] {strides = array<i32>} : memref<16x128xf32, #tpu.memory_space<vmem>>, vector<16xf32>,
    %add3A_469 = arith.addf %add3A_464, %get3A_468 : vector<16xf32>
    %get3A_470 = arith.constant 3 : i32
    %get3A_471 = arith.index_cast %get3A_470 : i32 to index
    %get3A_472 = arith.constant 16 : index
    %get3A_473 = tpu.vector_load %arg8[%get3A_471, %get3A_472] {strides = array<i32>} : memref<16x128xf32, #tpu.memory_space<vmem>>, vector<16xf32>,
    %add3A_474 = arith.addf %add3A_469, %get3A_473 : vector<16xf32>
    %get3A_475 = arith.constant 4 : i32
    %get3A_476 = arith.index_cast %get3A_475 : i32 to index
    %get3A_477 = arith.constant 16 : index
    %get3A_478 = tpu.vector_load %arg8[%get3A_476, %get3A_477] {strides = array<i32>} : memref<16x128xf32, #tpu.memory_space<vmem>>, vector<16xf32>,
    %add3A_479 = arith.addf %add3A_474, %get3A_478 : vector<16xf32>
    %get3A_480 = arith.constant 5 : i32
    %get3A_481 = arith.index_cast %get3A_480 : i32 to index
    %get3A_482 = arith.constant 16 : index
    %get3A_483 = tpu.vector_load %arg8[%get3A_481, %get3A_482] {strides = array<i32>} : memref<16x128xf32, #tpu.memory_space<vmem>>, vector<16xf32>,
    %add3A_484 = arith.addf %add3A_479, %get3A_483 : vector<16xf32>
    %get3A_485 = arith.constant 6 : i32
    %get3A_486 = arith.index_cast %get3A_485 : i32 to index
    %get3A_487 = arith.constant 16 : index
    %get3A_488 = tpu.vector_load %arg8[%get3A_486, %get3A_487] {strides = array<i32>} : memref<16x128xf32, #tpu.memory_space<vmem>>, vector<16xf32>,
    %add3A_489 = arith.addf %add3A_484, %get3A_488 : vector<16xf32>
    %get3A_490 = arith.constant 7 : i32
    %get3A_491 = arith.index_cast %get3A_490 : i32 to index
    %get3A_492 = arith.constant 16 : index
    %get3A_493 = tpu.vector_load %arg8[%get3A_491, %get3A_492] {strides = array<i32>} : memref<16x128xf32, #tpu.memory_space<vmem>>, vector<16xf32>,
    %add3A_494 = arith.addf %add3A_489, %get3A_493 : vector<16xf32>
    %get3A_495 = arith.constant 8 : i32
    %get3A_496 = arith.index_cast %get3A_495 : i32 to index
    %get3A_497 = arith.constant 16 : index
    %get3A_498 = tpu.vector_load %arg8[%get3A_496, %get3A_497] {strides = array<i32>} : memref<16x128xf32, #tpu.memory_space<vmem>>, vector<16xf32>,
    %add3A_499 = arith.addf %add3A_494, %get3A_498 : vector<16xf32>
    %get3A_500 = arith.constant 9 : i32
    %get3A_501 = arith.index_cast %get3A_500 : i32 to index
    %get3A_502 = arith.constant 16 : index
    %get3A_503 = tpu.vector_load %arg8[%get3A_501, %get3A_502] {strides = array<i32>} : memref<16x128xf32, #tpu.memory_space<vmem>>, vector<16xf32>,
    %add3A_504 = arith.addf %add3A_499, %get3A_503 : vector<16xf32>
    %get3A_505 = arith.constant 10 : i32
    %get3A_506 = arith.index_cast %get3A_505 : i32 to index
    %get3A_507 = arith.constant 16 : index
    %get3A_508 = tpu.vector_load %arg8[%get3A_506, %get3A_507] {strides = array<i32>} : memref<16x128xf32, #tpu.memory_space<vmem>>, vector<16xf32>,
    %add3A_509 = arith.addf %add3A_504, %get3A_508 : vector<16xf32>
    %get3A_510 = arith.constant 11 : i32
    %get3A_511 = arith.index_cast %get3A_510 : i32 to index
    %get3A_512 = arith.constant 16 : index
    %get3A_513 = tpu.vector_load %arg8[%get3A_511, %get3A_512] {strides = array<i32>} : memref<16x128xf32, #tpu.memory_space<vmem>>, vector<16xf32>,
    %add3A_514 = arith.addf %add3A_509, %get3A_513 : vector<16xf32>
    %get3A_515 = arith.constant 12 : i32
    %get3A_516 = arith.index_cast %get3A_515 : i32 to index
    %get3A_517 = arith.constant 16 : index
    %get3A_518 = tpu.vector_load %arg8[%get3A_516, %get3A_517] {strides = array<i32>} : memref<16x128xf32, #tpu.memory_space<vmem>>, vector<16xf32>,
    %add3A_519 = arith.addf %add3A_514, %get3A_518 : vector<16xf32>
    %get3A_520 = arith.constant 13 : i32
    %get3A_521 = arith.index_cast %get3A_520 : i32 to index
    %get3A_522 = arith.constant 16 : index
    %get3A_523 = tpu.vector_load %arg8[%get3A_521, %get3A_522] {strides = array<i32>} : memref<16x128xf32, #tpu.memory_space<vmem>>, vector<16xf32>,
    %add3A_524 = arith.addf %add3A_519, %get3A_523 : vector<16xf32>
    %get3A_525 = arith.constant 14 : i32
    %get3A_526 = arith.index_cast %get3A_525 : i32 to index
    %get3A_527 = arith.constant 16 : index
    %get3A_528 = tpu.vector_load %arg8[%get3A_526, %get3A_527] {strides = array<i32>} : memref<16x128xf32, #tpu.memory_space<vmem>>, vector<16xf32>,
    %add3A_529 = arith.addf %add3A_524, %get3A_528 : vector<16xf32>
    %get3A_530 = arith.constant 15 : i32
    %get3A_531 = arith.index_cast %get3A_530 : i32 to index
    %get3A_532 = arith.constant 16 : index
    %get3A_533 = tpu.vector_load %arg8[%get3A_531, %get3A_532] {strides = array<i32>} : memref<16x128xf32, #tpu.memory_space<vmem>>, vector<16xf32>,
    %add3A_534 = arith.addf %add3A_529, %get3A_533 : vector<16xf32>
    %swap3A_535 = arith.constant 16 : index
    %swap3A_536 = tpu.vector_load %arg9[%swap3A_535] {strides = array<i32>} : memref<128xf32, #tpu.memory_space<vmem>>, vector<16xf32>,
    tpu.vector_store %arg9[%swap3A_535], %add3A_534 {strides = array<i32>} : memref<128xf32, #tpu.memory_space<vmem>>, vector<16xf32>,
    %get3A_537 = arith.constant 0 : i32
    %get3A_538 = arith.index_cast %get3A_537 : i32 to index
    %get3A_539 = arith.constant 32 : index
    %get3A_540 = tpu.vector_load %arg8[%get3A_538, %get3A_539] {strides = array<i32>} : memref<16x128xf32, #tpu.memory_space<vmem>>, vector<16xf32>,
    %get3A_541 = arith.constant 1 : i32
    %get3A_542 = arith.index_cast %get3A_541 : i32 to index
    %get3A_543 = arith.constant 32 : index
    %get3A_544 = tpu.vector_load %arg8[%get3A_542, %get3A_543] {strides = array<i32>} : memref<16x128xf32, #tpu.memory_space<vmem>>, vector<16xf32>,
    %add3A_545 = arith.addf %get3A_540, %get3A_544 : vector<16xf32>
    %get3A_546 = arith.constant 2 : i32
    %get3A_547 = arith.index_cast %get3A_546 : i32 to index
    %get3A_548 = arith.constant 32 : index
    %get3A_549 = tpu.vector_load %arg8[%get3A_547, %get3A_548] {strides = array<i32>} : memref<16x128xf32, #tpu.memory_space<vmem>>, vector<16xf32>,
    %add3A_550 = arith.addf %add3A_545, %get3A_549 : vector<16xf32>
    %get3A_551 = arith.constant 3 : i32
    %get3A_552 = arith.index_cast %get3A_551 : i32 to index
    %get3A_553 = arith.constant 32 : index
    %get3A_554 = tpu.vector_load %arg8[%get3A_552, %get3A_553] {strides = array<i32>} : memref<16x128xf32, #tpu.memory_space<vmem>>, vector<16xf32>,
    %add3A_555 = arith.addf %add3A_550, %get3A_554 : vector<16xf32>
    %get3A_556 = arith.constant 4 : i32
    %get3A_557 = arith.index_cast %get3A_556 : i32 to index
    %get3A_558 = arith.constant 32 : index
    %get3A_559 = tpu.vector_load %arg8[%get3A_557, %get3A_558] {strides = array<i32>} : memref<16x128xf32, #tpu.memory_space<vmem>>, vector<16xf32>,
    %add3A_560 = arith.addf %add3A_555, %get3A_559 : vector<16xf32>
    %get3A_561 = arith.constant 5 : i32
    %get3A_562 = arith.index_cast %get3A_561 : i32 to index
    %get3A_563 = arith.constant 32 : index
    %get3A_564 = tpu.vector_load %arg8[%get3A_562, %get3A_563] {strides = array<i32>} : memref<16x128xf32, #tpu.memory_space<vmem>>, vector<16xf32>,
    %add3A_565 = arith.addf %add3A_560, %get3A_564 : vector<16xf32>
    %get3A_566 = arith.constant 6 : i32
    %get3A_567 = arith.index_cast %get3A_566 : i32 to index
    %get3A_568 = arith.constant 32 : index
    %get3A_569 = tpu.vector_load %arg8[%get3A_567, %get3A_568] {strides = array<i32>} : memref<16x128xf32, #tpu.memory_space<vmem>>, vector<16xf32>,
    %add3A_570 = arith.addf %add3A_565, %get3A_569 : vector<16xf32>
    %get3A_571 = arith.constant 7 : i32
    %get3A_572 = arith.index_cast %get3A_571 : i32 to index
    %get3A_573 = arith.constant 32 : index
    %get3A_574 = tpu.vector_load %arg8[%get3A_572, %get3A_573] {strides = array<i32>} : memref<16x128xf32, #tpu.memory_space<vmem>>, vector<16xf32>,
    %add3A_575 = arith.addf %add3A_570, %get3A_574 : vector<16xf32>
    %get3A_576 = arith.constant 8 : i32
    %get3A_577 = arith.index_cast %get3A_576 : i32 to index
    %get3A_578 = arith.constant 32 : index
    %get3A_579 = tpu.vector_load %arg8[%get3A_577, %get3A_578] {strides = array<i32>} : memref<16x128xf32, #tpu.memory_space<vmem>>, vector<16xf32>,
    %add3A_580 = arith.addf %add3A_575, %get3A_579 : vector<16xf32>
    %get3A_581 = arith.constant 9 : i32
    %get3A_582 = arith.index_cast %get3A_581 : i32 to index
    %get3A_583 = arith.constant 32 : index
    %get3A_584 = tpu.vector_load %arg8[%get3A_582, %get3A_583] {strides = array<i32>} : memref<16x128xf32, #tpu.memory_space<vmem>>, vector<16xf32>,
    %add3A_585 = arith.addf %add3A_580, %get3A_584 : vector<16xf32>
    %get3A_586 = arith.constant 10 : i32
    %get3A_587 = arith.index_cast %get3A_586 : i32 to index
    %get3A_588 = arith.constant 32 : index
    %get3A_589 = tpu.vector_load %arg8[%get3A_587, %get3A_588] {strides = array<i32>} : memref<16x128xf32, #tpu.memory_space<vmem>>, vector<16xf32>,
    %add3A_590 = arith.addf %add3A_585, %get3A_589 : vector<16xf32>
    %get3A_591 = arith.constant 11 : i32
    %get3A_592 = arith.index_cast %get3A_591 : i32 to index
    %get3A_593 = arith.constant 32 : index
    %get3A_594 = tpu.vector_load %arg8[%get3A_592, %get3A_593] {strides = array<i32>} : memref<16x128xf32, #tpu.memory_space<vmem>>, vector<16xf32>,
    %add3A_595 = arith.addf %add3A_590, %get3A_594 : vector<16xf32>
    %get3A_596 = arith.constant 12 : i32
    %get3A_597 = arith.index_cast %get3A_596 : i32 to index
    %get3A_598 = arith.constant 32 : index
    %get3A_599 = tpu.vector_load %arg8[%get3A_597, %get3A_598] {strides = array<i32>} : memref<16x128xf32, #tpu.memory_space<vmem>>, vector<16xf32>,
    %add3A_600 = arith.addf %add3A_595, %get3A_599 : vector<16xf32>
    %get3A_601 = arith.constant 13 : i32
    %get3A_602 = arith.index_cast %get3A_601 : i32 to index
    %get3A_603 = arith.constant 32 : index
    %get3A_604 = tpu.vector_load %arg8[%get3A_602, %get3A_603] {strides = array<i32>} : memref<16x128xf32, #tpu.memory_space<vmem>>, vector<16xf32>,
    %add3A_605 = arith.addf %add3A_600, %get3A_604 : vector<16xf32>
    %get3A_606 = arith.constant 14 : i32
    %get3A_607 = arith.index_cast %get3A_606 : i32 to index
    %get3A_608 = arith.constant 32 : index
    %get3A_609 = tpu.vector_load %arg8[%get3A_607, %get3A_608] {strides = array<i32>} : memref<16x128xf32, #tpu.memory_space<vmem>>, vector<16xf32>,
    %add3A_610 = arith.addf %add3A_605, %get3A_609 : vector<16xf32>
    %get3A_611 = arith.constant 15 : i32
    %get3A_612 = arith.index_cast %get3A_611 : i32 to index
    %get3A_613 = arith.constant 32 : index
    %get3A_614 = tpu.vector_load %arg8[%get3A_612, %get3A_613] {strides = array<i32>} : memref<16x128xf32, #tpu.memory_space<vmem>>, vector<16xf32>,
    %add3A_615 = arith.addf %add3A_610, %get3A_614 : vector<16xf32>
    %swap3A_616 = arith.constant 32 : index
    %swap3A_617 = tpu.vector_load %arg9[%swap3A_616] {strides = array<i32>} : memref<128xf32, #tpu.memory_space<vmem>>, vector<16xf32>,
    tpu.vector_store %arg9[%swap3A_616], %add3A_615 {strides = array<i32>} : memref<128xf32, #tpu.memory_space<vmem>>, vector<16xf32>,
    %get3A_618 = arith.constant 0 : i32
    %get3A_619 = arith.index_cast %get3A_618 : i32 to index
    %get3A_620 = arith.constant 48 : index
    %get3A_621 = tpu.vector_load %arg8[%get3A_619, %get3A_620] {strides = array<i32>} : memref<16x128xf32, #tpu.memory_space<vmem>>, vector<16xf32>,
    %get3A_622 = arith.constant 1 : i32
    %get3A_623 = arith.index_cast %get3A_622 : i32 to index
    %get3A_624 = arith.constant 48 : index
    %get3A_625 = tpu.vector_load %arg8[%get3A_623, %get3A_624] {strides = array<i32>} : memref<16x128xf32, #tpu.memory_space<vmem>>, vector<16xf32>,
    %add3A_626 = arith.addf %get3A_621, %get3A_625 : vector<16xf32>
    %get3A_627 = arith.constant 2 : i32
    %get3A_628 = arith.index_cast %get3A_627 : i32 to index
    %get3A_629 = arith.constant 48 : index
    %get3A_630 = tpu.vector_load %arg8[%get3A_628, %get3A_629] {strides = array<i32>} : memref<16x128xf32, #tpu.memory_space<vmem>>, vector<16xf32>,
    %add3A_631 = arith.addf %add3A_626, %get3A_630 : vector<16xf32>
    %get3A_632 = arith.constant 3 : i32
    %get3A_633 = arith.index_cast %get3A_632 : i32 to index
    %get3A_634 = arith.constant 48 : index
    %get3A_635 = tpu.vector_load %arg8[%get3A_633, %get3A_634] {strides = array<i32>} : memref<16x128xf32, #tpu.memory_space<vmem>>, vector<16xf32>,
    %add3A_636 = arith.addf %add3A_631, %get3A_635 : vector<16xf32>
    %get3A_637 = arith.constant 4 : i32
    %get3A_638 = arith.index_cast %get3A_637 : i32 to index
    %get3A_639 = arith.constant 48 : index
    %get3A_640 = tpu.vector_load %arg8[%get3A_638, %get3A_639] {strides = array<i32>} : memref<16x128xf32, #tpu.memory_space<vmem>>, vector<16xf32>,
    %add3A_641 = arith.addf %add3A_636, %get3A_640 : vector<16xf32>
    %get3A_642 = arith.constant 5 : i32
    %get3A_643 = arith.index_cast %get3A_642 : i32 to index
    %get3A_644 = arith.constant 48 : index
    %get3A_645 = tpu.vector_load %arg8[%get3A_643, %get3A_644] {strides = array<i32>} : memref<16x128xf32, #tpu.memory_space<vmem>>, vector<16xf32>,
    %add3A_646 = arith.addf %add3A_641, %get3A_645 : vector<16xf32>
    %get3A_647 = arith.constant 6 : i32
    %get3A_648 = arith.index_cast %get3A_647 : i32 to index
    %get3A_649 = arith.constant 48 : index
    %get3A_650 = tpu.vector_load %arg8[%get3A_648, %get3A_649] {strides = array<i32>} : memref<16x128xf32, #tpu.memory_space<vmem>>, vector<16xf32>,
    %add3A_651 = arith.addf %add3A_646, %get3A_650 : vector<16xf32>
    %get3A_652 = arith.constant 7 : i32
    %get3A_653 = arith.index_cast %get3A_652 : i32 to index
    %get3A_654 = arith.constant 48 : index
    %get3A_655 = tpu.vector_load %arg8[%get3A_653, %get3A_654] {strides = array<i32>} : memref<16x128xf32, #tpu.memory_space<vmem>>, vector<16xf32>,
    %add3A_656 = arith.addf %add3A_651, %get3A_655 : vector<16xf32>
    %get3A_657 = arith.constant 8 : i32
    %get3A_658 = arith.index_cast %get3A_657 : i32 to index
    %get3A_659 = arith.constant 48 : index
    %get3A_660 = tpu.vector_load %arg8[%get3A_658, %get3A_659] {strides = array<i32>} : memref<16x128xf32, #tpu.memory_space<vmem>>, vector<16xf32>,
    %add3A_661 = arith.addf %add3A_656, %get3A_660 : vector<16xf32>
    %get3A_662 = arith.constant 9 : i32
    %get3A_663 = arith.index_cast %get3A_662 : i32 to index
    %get3A_664 = arith.constant 48 : index
    %get3A_665 = tpu.vector_load %arg8[%get3A_663, %get3A_664] {strides = array<i32>} : memref<16x128xf32, #tpu.memory_space<vmem>>, vector<16xf32>,
    %add3A_666 = arith.addf %add3A_661, %get3A_665 : vector<16xf32>
    %get3A_667 = arith.constant 10 : i32
    %get3A_668 = arith.index_cast %get3A_667 : i32 to index
    %get3A_669 = arith.constant 48 : index
    %get3A_670 = tpu.vector_load %arg8[%get3A_668, %get3A_669] {strides = array<i32>} : memref<16x128xf32, #tpu.memory_space<vmem>>, vector<16xf32>,
    %add3A_671 = arith.addf %add3A_666, %get3A_670 : vector<16xf32>
    %get3A_672 = arith.constant 11 : i32
    %get3A_673 = arith.index_cast %get3A_672 : i32 to index
    %get3A_674 = arith.constant 48 : index
    %get3A_675 = tpu.vector_load %arg8[%get3A_673, %get3A_674] {strides = array<i32>} : memref<16x128xf32, #tpu.memory_space<vmem>>, vector<16xf32>,
    %add3A_676 = arith.addf %add3A_671, %get3A_675 : vector<16xf32>
    %get3A_677 = arith.constant 12 : i32
    %get3A_678 = arith.index_cast %get3A_677 : i32 to index
    %get3A_679 = arith.constant 48 : index
    %get3A_680 = tpu.vector_load %arg8[%get3A_678, %get3A_679] {strides = array<i32>} : memref<16x128xf32, #tpu.memory_space<vmem>>, vector<16xf32>,
    %add3A_681 = arith.addf %add3A_676, %get3A_680 : vector<16xf32>
    %get3A_682 = arith.constant 13 : i32
    %get3A_683 = arith.index_cast %get3A_682 : i32 to index
    %get3A_684 = arith.constant 48 : index
    %get3A_685 = tpu.vector_load %arg8[%get3A_683, %get3A_684] {strides = array<i32>} : memref<16x128xf32, #tpu.memory_space<vmem>>, vector<16xf32>,
    %add3A_686 = arith.addf %add3A_681, %get3A_685 : vector<16xf32>
    %get3A_687 = arith.constant 14 : i32
    %get3A_688 = arith.index_cast %get3A_687 : i32 to index
    %get3A_689 = arith.constant 48 : index
    %get3A_690 = tpu.vector_load %arg8[%get3A_688, %get3A_689] {strides = array<i32>} : memref<16x128xf32, #tpu.memory_space<vmem>>, vector<16xf32>,
    %add3A_691 = arith.addf %add3A_686, %get3A_690 : vector<16xf32>
    %get3A_692 = arith.constant 15 : i32
    %get3A_693 = arith.index_cast %get3A_692 : i32 to index
    %get3A_694 = arith.constant 48 : index
    %get3A_695 = tpu.vector_load %arg8[%get3A_693, %get3A_694] {strides = array<i32>} : memref<16x128xf32, #tpu.memory_space<vmem>>, vector<16xf32>,
    %add3A_696 = arith.addf %add3A_691, %get3A_695 : vector<16xf32>
    %swap3A_697 = arith.constant 48 : index
    %swap3A_698 = tpu.vector_load %arg9[%swap3A_697] {strides = array<i32>} : memref<128xf32, #tpu.memory_space<vmem>>, vector<16xf32>,
    tpu.vector_store %arg9[%swap3A_697], %add3A_696 {strides = array<i32>} : memref<128xf32, #tpu.memory_space<vmem>>, vector<16xf32>,
    %get3A_699 = arith.constant 0 : i32
    %get3A_700 = arith.index_cast %get3A_699 : i32 to index
    %get3A_701 = arith.constant 64 : index
    %get3A_702 = tpu.vector_load %arg8[%get3A_700, %get3A_701] {strides = array<i32>} : memref<16x128xf32, #tpu.memory_space<vmem>>, vector<16xf32>,
    %get3A_703 = arith.constant 1 : i32
    %get3A_704 = arith.index_cast %get3A_703 : i32 to index
    %get3A_705 = arith.constant 64 : index
    %get3A_706 = tpu.vector_load %arg8[%get3A_704, %get3A_705] {strides = array<i32>} : memref<16x128xf32, #tpu.memory_space<vmem>>, vector<16xf32>,
    %add3A_707 = arith.addf %get3A_702, %get3A_706 : vector<16xf32>
    %get3A_708 = arith.constant 2 : i32
    %get3A_709 = arith.index_cast %get3A_708 : i32 to index
    %get3A_710 = arith.constant 64 : index
    %get3A_711 = tpu.vector_load %arg8[%get3A_709, %get3A_710] {strides = array<i32>} : memref<16x128xf32, #tpu.memory_space<vmem>>, vector<16xf32>,
    %add3A_712 = arith.addf %add3A_707, %get3A_711 : vector<16xf32>
    %get3A_713 = arith.constant 3 : i32
    %get3A_714 = arith.index_cast %get3A_713 : i32 to index
    %get3A_715 = arith.constant 64 : index
    %get3A_716 = tpu.vector_load %arg8[%get3A_714, %get3A_715] {strides = array<i32>} : memref<16x128xf32, #tpu.memory_space<vmem>>, vector<16xf32>,
    %add3A_717 = arith.addf %add3A_712, %get3A_716 : vector<16xf32>
    %get3A_718 = arith.constant 4 : i32
    %get3A_719 = arith.index_cast %get3A_718 : i32 to index
    %get3A_720 = arith.constant 64 : index
    %get3A_721 = tpu.vector_load %arg8[%get3A_719, %get3A_720] {strides = array<i32>} : memref<16x128xf32, #tpu.memory_space<vmem>>, vector<16xf32>,
    %add3A_722 = arith.addf %add3A_717, %get3A_721 : vector<16xf32>
    %get3A_723 = arith.constant 5 : i32
    %get3A_724 = arith.index_cast %get3A_723 : i32 to index
    %get3A_725 = arith.constant 64 : index
    %get3A_726 = tpu.vector_load %arg8[%get3A_724, %get3A_725] {strides = array<i32>} : memref<16x128xf32, #tpu.memory_space<vmem>>, vector<16xf32>,
    %add3A_727 = arith.addf %add3A_722, %get3A_726 : vector<16xf32>
    %get3A_728 = arith.constant 6 : i32
    %get3A_729 = arith.index_cast %get3A_728 : i32 to index
    %get3A_730 = arith.constant 64 : index
    %get3A_731 = tpu.vector_load %arg8[%get3A_729, %get3A_730] {strides = array<i32>} : memref<16x128xf32, #tpu.memory_space<vmem>>, vector<16xf32>,
    %add3A_732 = arith.addf %add3A_727, %get3A_731 : vector<16xf32>
    %get3A_733 = arith.constant 7 : i32
    %get3A_734 = arith.index_cast %get3A_733 : i32 to index
    %get3A_735 = arith.constant 64 : index
    %get3A_736 = tpu.vector_load %arg8[%get3A_734, %get3A_735] {strides = array<i32>} : memref<16x128xf32, #tpu.memory_space<vmem>>, vector<16xf32>,
    %add3A_737 = arith.addf %add3A_732, %get3A_736 : vector<16xf32>
    %get3A_738 = arith.constant 8 : i32
    %get3A_739 = arith.index_cast %get3A_738 : i32 to index
    %get3A_740 = arith.constant 64 : index
    %get3A_741 = tpu.vector_load %arg8[%get3A_739, %get3A_740] {strides = array<i32>} : memref<16x128xf32, #tpu.memory_space<vmem>>, vector<16xf32>,
    %add3A_742 = arith.addf %add3A_737, %get3A_741 : vector<16xf32>
    %get3A_743 = arith.constant 9 : i32
    %get3A_744 = arith.index_cast %get3A_743 : i32 to index
    %get3A_745 = arith.constant 64 : index
    %get3A_746 = tpu.vector_load %arg8[%get3A_744, %get3A_745] {strides = array<i32>} : memref<16x128xf32, #tpu.memory_space<vmem>>, vector<16xf32>,
    %add3A_747 = arith.addf %add3A_742, %get3A_746 : vector<16xf32>
    %get3A_748 = arith.constant 10 : i32
    %get3A_749 = arith.index_cast %get3A_748 : i32 to index
    %get3A_750 = arith.constant 64 : index
    %get3A_751 = tpu.vector_load %arg8[%get3A_749, %get3A_750] {strides = array<i32>} : memref<16x128xf32, #tpu.memory_space<vmem>>, vector<16xf32>,
    %add3A_752 = arith.addf %add3A_747, %get3A_751 : vector<16xf32>
    %get3A_753 = arith.constant 11 : i32
    %get3A_754 = arith.index_cast %get3A_753 : i32 to index
    %get3A_755 = arith.constant 64 : index
    %get3A_756 = tpu.vector_load %arg8[%get3A_754, %get3A_755] {strides = array<i32>} : memref<16x128xf32, #tpu.memory_space<vmem>>, vector<16xf32>,
    %add3A_757 = arith.addf %add3A_752, %get3A_756 : vector<16xf32>
    %get3A_758 = arith.constant 12 : i32
    %get3A_759 = arith.index_cast %get3A_758 : i32 to index
    %get3A_760 = arith.constant 64 : index
    %get3A_761 = tpu.vector_load %arg8[%get3A_759, %get3A_760] {strides = array<i32>} : memref<16x128xf32, #tpu.memory_space<vmem>>, vector<16xf32>,
    %add3A_762 = arith.addf %add3A_757, %get3A_761 : vector<16xf32>
    %get3A_763 = arith.constant 13 : i32
    %get3A_764 = arith.index_cast %get3A_763 : i32 to index
    %get3A_765 = arith.constant 64 : index
    %get3A_766 = tpu.vector_load %arg8[%get3A_764, %get3A_765] {strides = array<i32>} : memref<16x128xf32, #tpu.memory_space<vmem>>, vector<16xf32>,
    %add3A_767 = arith.addf %add3A_762, %get3A_766 : vector<16xf32>
    %get3A_768 = arith.constant 14 : i32
    %get3A_769 = arith.index_cast %get3A_768 : i32 to index
    %get3A_770 = arith.constant 64 : index
    %get3A_771 = tpu.vector_load %arg8[%get3A_769, %get3A_770] {strides = array<i32>} : memref<16x128xf32, #tpu.memory_space<vmem>>, vector<16xf32>,
    %add3A_772 = arith.addf %add3A_767, %get3A_771 : vector<16xf32>
    %get3A_773 = arith.constant 15 : i32
    %get3A_774 = arith.index_cast %get3A_773 : i32 to index
    %get3A_775 = arith.constant 64 : index
    %get3A_776 = tpu.vector_load %arg8[%get3A_774, %get3A_775] {strides = array<i32>} : memref<16x128xf32, #tpu.memory_space<vmem>>, vector<16xf32>,
    %add3A_777 = arith.addf %add3A_772, %get3A_776 : vector<16xf32>
    %swap3A_778 = arith.constant 64 : index
    %swap3A_779 = tpu.vector_load %arg9[%swap3A_778] {strides = array<i32>} : memref<128xf32, #tpu.memory_space<vmem>>, vector<16xf32>,
    tpu.vector_store %arg9[%swap3A_778], %add3A_777 {strides = array<i32>} : memref<128xf32, #tpu.memory_space<vmem>>, vector<16xf32>,
    %get3A_780 = arith.constant 0 : i32
    %get3A_781 = arith.index_cast %get3A_780 : i32 to index
    %get3A_782 = arith.constant 80 : index
    %get3A_783 = tpu.vector_load %arg8[%get3A_781, %get3A_782] {strides = array<i32>} : memref<16x128xf32, #tpu.memory_space<vmem>>, vector<16xf32>,
    %get3A_784 = arith.constant 1 : i32
    %get3A_785 = arith.index_cast %get3A_784 : i32 to index
    %get3A_786 = arith.constant 80 : index
    %get3A_787 = tpu.vector_load %arg8[%get3A_785, %get3A_786] {strides = array<i32>} : memref<16x128xf32, #tpu.memory_space<vmem>>, vector<16xf32>,
    %add3A_788 = arith.addf %get3A_783, %get3A_787 : vector<16xf32>
    %get3A_789 = arith.constant 2 : i32
    %get3A_790 = arith.index_cast %get3A_789 : i32 to index
    %get3A_791 = arith.constant 80 : index
    %get3A_792 = tpu.vector_load %arg8[%get3A_790, %get3A_791] {strides = array<i32>} : memref<16x128xf32, #tpu.memory_space<vmem>>, vector<16xf32>,
    %add3A_793 = arith.addf %add3A_788, %get3A_792 : vector<16xf32>
    %get3A_794 = arith.constant 3 : i32
    %get3A_795 = arith.index_cast %get3A_794 : i32 to index
    %get3A_796 = arith.constant 80 : index
    %get3A_797 = tpu.vector_load %arg8[%get3A_795, %get3A_796] {strides = array<i32>} : memref<16x128xf32, #tpu.memory_space<vmem>>, vector<16xf32>,
    %add3A_798 = arith.addf %add3A_793, %get3A_797 : vector<16xf32>
    %get3A_799 = arith.constant 4 : i32
    %get3A_800 = arith.index_cast %get3A_799 : i32 to index
    %get3A_801 = arith.constant 80 : index
    %get3A_802 = tpu.vector_load %arg8[%get3A_800, %get3A_801] {strides = array<i32>} : memref<16x128xf32, #tpu.memory_space<vmem>>, vector<16xf32>,
    %add3A_803 = arith.addf %add3A_798, %get3A_802 : vector<16xf32>
    %get3A_804 = arith.constant 5 : i32
    %get3A_805 = arith.index_cast %get3A_804 : i32 to index
    %get3A_806 = arith.constant 80 : index
    %get3A_807 = tpu.vector_load %arg8[%get3A_805, %get3A_806] {strides = array<i32>} : memref<16x128xf32, #tpu.memory_space<vmem>>, vector<16xf32>,
    %add3A_808 = arith.addf %add3A_803, %get3A_807 : vector<16xf32>
    %get3A_809 = arith.constant 6 : i32
    %get3A_810 = arith.index_cast %get3A_809 : i32 to index
    %get3A_811 = arith.constant 80 : index
    %get3A_812 = tpu.vector_load %arg8[%get3A_810, %get3A_811] {strides = array<i32>} : memref<16x128xf32, #tpu.memory_space<vmem>>, vector<16xf32>,
    %add3A_813 = arith.addf %add3A_808, %get3A_812 : vector<16xf32>
    %get3A_814 = arith.constant 7 : i32
    %get3A_815 = arith.index_cast %get3A_814 : i32 to index
    %get3A_816 = arith.constant 80 : index
    %get3A_817 = tpu.vector_load %arg8[%get3A_815, %get3A_816] {strides = array<i32>} : memref<16x128xf32, #tpu.memory_space<vmem>>, vector<16xf32>,
    %add3A_818 = arith.addf %add3A_813, %get3A_817 : vector<16xf32>
    %get3A_819 = arith.constant 8 : i32
    %get3A_820 = arith.index_cast %get3A_819 : i32 to index
    %get3A_821 = arith.constant 80 : index
    %get3A_822 = tpu.vector_load %arg8[%get3A_820, %get3A_821] {strides = array<i32>} : memref<16x128xf32, #tpu.memory_space<vmem>>, vector<16xf32>,
    %add3A_823 = arith.addf %add3A_818, %get3A_822 : vector<16xf32>
    %get3A_824 = arith.constant 9 : i32
    %get3A_825 = arith.index_cast %get3A_824 : i32 to index
    %get3A_826 = arith.constant 80 : index
    %get3A_827 = tpu.vector_load %arg8[%get3A_825, %get3A_826] {strides = array<i32>} : memref<16x128xf32, #tpu.memory_space<vmem>>, vector<16xf32>,
    %add3A_828 = arith.addf %add3A_823, %get3A_827 : vector<16xf32>
    %get3A_829 = arith.constant 10 : i32
    %get3A_830 = arith.index_cast %get3A_829 : i32 to index
    %get3A_831 = arith.constant 80 : index
    %get3A_832 = tpu.vector_load %arg8[%get3A_830, %get3A_831] {strides = array<i32>} : memref<16x128xf32, #tpu.memory_space<vmem>>, vector<16xf32>,
    %add3A_833 = arith.addf %add3A_828, %get3A_832 : vector<16xf32>
    %get3A_834 = arith.constant 11 : i32
    %get3A_835 = arith.index_cast %get3A_834 : i32 to index
    %get3A_836 = arith.constant 80 : index
    %get3A_837 = tpu.vector_load %arg8[%get3A_835, %get3A_836] {strides = array<i32>} : memref<16x128xf32, #tpu.memory_space<vmem>>, vector<16xf32>,
    %add3A_838 = arith.addf %add3A_833, %get3A_837 : vector<16xf32>
    %get3A_839 = arith.constant 12 : i32
    %get3A_840 = arith.index_cast %get3A_839 : i32 to index
    %get3A_841 = arith.constant 80 : index
    %get3A_842 = tpu.vector_load %arg8[%get3A_840, %get3A_841] {strides = array<i32>} : memref<16x128xf32, #tpu.memory_space<vmem>>, vector<16xf32>,
    %add3A_843 = arith.addf %add3A_838, %get3A_842 : vector<16xf32>
    %get3A_844 = arith.constant 13 : i32
    %get3A_845 = arith.index_cast %get3A_844 : i32 to index
    %get3A_846 = arith.constant 80 : index
    %get3A_847 = tpu.vector_load %arg8[%get3A_845, %get3A_846] {strides = array<i32>} : memref<16x128xf32, #tpu.memory_space<vmem>>, vector<16xf32>,
    %add3A_848 = arith.addf %add3A_843, %get3A_847 : vector<16xf32>
    %get3A_849 = arith.constant 14 : i32
    %get3A_850 = arith.index_cast %get3A_849 : i32 to index
    %get3A_851 = arith.constant 80 : index
    %get3A_852 = tpu.vector_load %arg8[%get3A_850, %get3A_851] {strides = array<i32>} : memref<16x128xf32, #tpu.memory_space<vmem>>, vector<16xf32>,
    %add3A_853 = arith.addf %add3A_848, %get3A_852 : vector<16xf32>
    %get3A_854 = arith.constant 15 : i32
    %get3A_855 = arith.index_cast %get3A_854 : i32 to index
    %get3A_856 = arith.constant 80 : index
    %get3A_857 = tpu.vector_load %arg8[%get3A_855, %get3A_856] {strides = array<i32>} : memref<16x128xf32, #tpu.memory_space<vmem>>, vector<16xf32>,
    %add3A_858 = arith.addf %add3A_853, %get3A_857 : vector<16xf32>
    %swap3A_859 = arith.constant 80 : index
    %swap3A_860 = tpu.vector_load %arg9[%swap3A_859] {strides = array<i32>} : memref<128xf32, #tpu.memory_space<vmem>>, vector<16xf32>,
    tpu.vector_store %arg9[%swap3A_859], %add3A_858 {strides = array<i32>} : memref<128xf32, #tpu.memory_space<vmem>>, vector<16xf32>,
    %get3A_861 = arith.constant 0 : i32
    %get3A_862 = arith.index_cast %get3A_861 : i32 to index
    %get3A_863 = arith.constant 96 : index
    %get3A_864 = tpu.vector_load %arg8[%get3A_862, %get3A_863] {strides = array<i32>} : memref<16x128xf32, #tpu.memory_space<vmem>>, vector<16xf32>,
    %get3A_865 = arith.constant 1 : i32
    %get3A_866 = arith.index_cast %get3A_865 : i32 to index
    %get3A_867 = arith.constant 96 : index
    %get3A_868 = tpu.vector_load %arg8[%get3A_866, %get3A_867] {strides = array<i32>} : memref<16x128xf32, #tpu.memory_space<vmem>>, vector<16xf32>,
    %add3A_869 = arith.addf %get3A_864, %get3A_868 : vector<16xf32>
    %get3A_870 = arith.constant 2 : i32
    %get3A_871 = arith.index_cast %get3A_870 : i32 to index
    %get3A_872 = arith.constant 96 : index
    %get3A_873 = tpu.vector_load %arg8[%get3A_871, %get3A_872] {strides = array<i32>} : memref<16x128xf32, #tpu.memory_space<vmem>>, vector<16xf32>,
    %add3A_874 = arith.addf %add3A_869, %get3A_873 : vector<16xf32>
    %get3A_875 = arith.constant 3 : i32
    %get3A_876 = arith.index_cast %get3A_875 : i32 to index
    %get3A_877 = arith.constant 96 : index
    %get3A_878 = tpu.vector_load %arg8[%get3A_876, %get3A_877] {strides = array<i32>} : memref<16x128xf32, #tpu.memory_space<vmem>>, vector<16xf32>,
    %add3A_879 = arith.addf %add3A_874, %get3A_878 : vector<16xf32>
    %get3A_880 = arith.constant 4 : i32
    %get3A_881 = arith.index_cast %get3A_880 : i32 to index
    %get3A_882 = arith.constant 96 : index
    %get3A_883 = tpu.vector_load %arg8[%get3A_881, %get3A_882] {strides = array<i32>} : memref<16x128xf32, #tpu.memory_space<vmem>>, vector<16xf32>,
    %add3A_884 = arith.addf %add3A_879, %get3A_883 : vector<16xf32>
    %get3A_885 = arith.constant 5 : i32
    %get3A_886 = arith.index_cast %get3A_885 : i32 to index
    %get3A_887 = arith.constant 96 : index
    %get3A_888 = tpu.vector_load %arg8[%get3A_886, %get3A_887] {strides = array<i32>} : memref<16x128xf32, #tpu.memory_space<vmem>>, vector<16xf32>,
    %add3A_889 = arith.addf %add3A_884, %get3A_888 : vector<16xf32>
    %get3A_890 = arith.constant 6 : i32
    %get3A_891 = arith.index_cast %get3A_890 : i32 to index
    %get3A_892 = arith.constant 96 : index
    %get3A_893 = tpu.vector_load %arg8[%get3A_891, %get3A_892] {strides = array<i32>} : memref<16x128xf32, #tpu.memory_space<vmem>>, vector<16xf32>,
    %add3A_894 = arith.addf %add3A_889, %get3A_893 : vector<16xf32>
    %get3A_895 = arith.constant 7 : i32
    %get3A_896 = arith.index_cast %get3A_895 : i32 to index
    %get3A_897 = arith.constant 96 : index
    %get3A_898 = tpu.vector_load %arg8[%get3A_896, %get3A_897] {strides = array<i32>} : memref<16x128xf32, #tpu.memory_space<vmem>>, vector<16xf32>,
    %add3A_899 = arith.addf %add3A_894, %get3A_898 : vector<16xf32>
    %get3A_900 = arith.constant 8 : i32
    %get3A_901 = arith.index_cast %get3A_900 : i32 to index
    %get3A_902 = arith.constant 96 : index
    %get3A_903 = tpu.vector_load %arg8[%get3A_901, %get3A_902] {strides = array<i32>} : memref<16x128xf32, #tpu.memory_space<vmem>>, vector<16xf32>,
    %add3A_904 = arith.addf %add3A_899, %get3A_903 : vector<16xf32>
    %get3A_905 = arith.constant 9 : i32
    %get3A_906 = arith.index_cast %get3A_905 : i32 to index
    %get3A_907 = arith.constant 96 : index
    %get3A_908 = tpu.vector_load %arg8[%get3A_906, %get3A_907] {strides = array<i32>} : memref<16x128xf32, #tpu.memory_space<vmem>>, vector<16xf32>,
    %add3A_909 = arith.addf %add3A_904, %get3A_908 : vector<16xf32>
    %get3A_910 = arith.constant 10 : i32
    %get3A_911 = arith.index_cast %get3A_910 : i32 to index
    %get3A_912 = arith.constant 96 : index
    %get3A_913 = tpu.vector_load %arg8[%get3A_911, %get3A_912] {strides = array<i32>} : memref<16x128xf32, #tpu.memory_space<vmem>>, vector<16xf32>,
    %add3A_914 = arith.addf %add3A_909, %get3A_913 : vector<16xf32>
    %get3A_915 = arith.constant 11 : i32
    %get3A_916 = arith.index_cast %get3A_915 : i32 to index
    %get3A_917 = arith.constant 96 : index
    %get3A_918 = tpu.vector_load %arg8[%get3A_916, %get3A_917] {strides = array<i32>} : memref<16x128xf32, #tpu.memory_space<vmem>>, vector<16xf32>,
    %add3A_919 = arith.addf %add3A_914, %get3A_918 : vector<16xf32>
    %get3A_920 = arith.constant 12 : i32
    %get3A_921 = arith.index_cast %get3A_920 : i32 to index
    %get3A_922 = arith.constant 96 : index
    %get3A_923 = tpu.vector_load %arg8[%get3A_921, %get3A_922] {strides = array<i32>} : memref<16x128xf32, #tpu.memory_space<vmem>>, vector<16xf32>,
    %add3A_924 = arith.addf %add3A_919, %get3A_923 : vector<16xf32>
    %get3A_925 = arith.constant 13 : i32
    %get3A_926 = arith.index_cast %get3A_925 : i32 to index
    %get3A_927 = arith.constant 96 : index
    %get3A_928 = tpu.vector_load %arg8[%get3A_926, %get3A_927] {strides = array<i32>} : memref<16x128xf32, #tpu.memory_space<vmem>>, vector<16xf32>,
    %add3A_929 = arith.addf %add3A_924, %get3A_928 : vector<16xf32>
    %get3A_930 = arith.constant 14 : i32
    %get3A_931 = arith.index_cast %get3A_930 : i32 to index
    %get3A_932 = arith.constant 96 : index
    %get3A_933 = tpu.vector_load %arg8[%get3A_931, %get3A_932] {strides = array<i32>} : memref<16x128xf32, #tpu.memory_space<vmem>>, vector<16xf32>,
    %add3A_934 = arith.addf %add3A_929, %get3A_933 : vector<16xf32>
    %get3A_935 = arith.constant 15 : i32
    %get3A_936 = arith.index_cast %get3A_935 : i32 to index
    %get3A_937 = arith.constant 96 : index
    %get3A_938 = tpu.vector_load %arg8[%get3A_936, %get3A_937] {strides = array<i32>} : memref<16x128xf32, #tpu.memory_space<vmem>>, vector<16xf32>,
    %add3A_939 = arith.addf %add3A_934, %get3A_938 : vector<16xf32>
    %swap3A_940 = arith.constant 96 : index
    %swap3A_941 = tpu.vector_load %arg9[%swap3A_940] {strides = array<i32>} : memref<128xf32, #tpu.memory_space<vmem>>, vector<16xf32>,
    tpu.vector_store %arg9[%swap3A_940], %add3A_939 {strides = array<i32>} : memref<128xf32, #tpu.memory_space<vmem>>, vector<16xf32>,
    %get3A_942 = arith.constant 0 : i32
    %get3A_943 = arith.index_cast %get3A_942 : i32 to index
    %get3A_944 = arith.constant 112 : index
    %get3A_945 = tpu.vector_load %arg8[%get3A_943, %get3A_944] {strides = array<i32>} : memref<16x128xf32, #tpu.memory_space<vmem>>, vector<16xf32>,
    %get3A_946 = arith.constant 1 : i32
    %get3A_947 = arith.index_cast %get3A_946 : i32 to index
    %get3A_948 = arith.constant 112 : index
    %get3A_949 = tpu.vector_load %arg8[%get3A_947, %get3A_948] {strides = array<i32>} : memref<16x128xf32, #tpu.memory_space<vmem>>, vector<16xf32>,
    %add3A_950 = arith.addf %get3A_945, %get3A_949 : vector<16xf32>
    %get3A_951 = arith.constant 2 : i32
    %get3A_952 = arith.index_cast %get3A_951 : i32 to index
    %get3A_953 = arith.constant 112 : index
    %get3A_954 = tpu.vector_load %arg8[%get3A_952, %get3A_953] {strides = array<i32>} : memref<16x128xf32, #tpu.memory_space<vmem>>, vector<16xf32>,
    %add3A_955 = arith.addf %add3A_950, %get3A_954 : vector<16xf32>
    %get3A_956 = arith.constant 3 : i32
    %get3A_957 = arith.index_cast %get3A_956 : i32 to index
    %get3A_958 = arith.constant 112 : index
    %get3A_959 = tpu.vector_load %arg8[%get3A_957, %get3A_958] {strides = array<i32>} : memref<16x128xf32, #tpu.memory_space<vmem>>, vector<16xf32>,
    %add3A_960 = arith.addf %add3A_955, %get3A_959 : vector<16xf32>
    %get3A_961 = arith.constant 4 : i32
    %get3A_962 = arith.index_cast %get3A_961 : i32 to index
    %get3A_963 = arith.constant 112 : index
    %get3A_964 = tpu.vector_load %arg8[%get3A_962, %get3A_963] {strides = array<i32>} : memref<16x128xf32, #tpu.memory_space<vmem>>, vector<16xf32>,
    %add3A_965 = arith.addf %add3A_960, %get3A_964 : vector<16xf32>
    %get3A_966 = arith.constant 5 : i32
    %get3A_967 = arith.index_cast %get3A_966 : i32 to index
    %get3A_968 = arith.constant 112 : index
    %get3A_969 = tpu.vector_load %arg8[%get3A_967, %get3A_968] {strides = array<i32>} : memref<16x128xf32, #tpu.memory_space<vmem>>, vector<16xf32>,
    %add3A_970 = arith.addf %add3A_965, %get3A_969 : vector<16xf32>
    %get3A_971 = arith.constant 6 : i32
    %get3A_972 = arith.index_cast %get3A_971 : i32 to index
    %get3A_973 = arith.constant 112 : index
    %get3A_974 = tpu.vector_load %arg8[%get3A_972, %get3A_973] {strides = array<i32>} : memref<16x128xf32, #tpu.memory_space<vmem>>, vector<16xf32>,
    %add3A_975 = arith.addf %add3A_970, %get3A_974 : vector<16xf32>
    %get3A_976 = arith.constant 7 : i32
    %get3A_977 = arith.index_cast %get3A_976 : i32 to index
    %get3A_978 = arith.constant 112 : index
    %get3A_979 = tpu.vector_load %arg8[%get3A_977, %get3A_978] {strides = array<i32>} : memref<16x128xf32, #tpu.memory_space<vmem>>, vector<16xf32>,
    %add3A_980 = arith.addf %add3A_975, %get3A_979 : vector<16xf32>
    %get3A_981 = arith.constant 8 : i32
    %get3A_982 = arith.index_cast %get3A_981 : i32 to index
    %get3A_983 = arith.constant 112 : index
    %get3A_984 = tpu.vector_load %arg8[%get3A_982, %get3A_983] {strides = array<i32>} : memref<16x128xf32, #tpu.memory_space<vmem>>, vector<16xf32>,
    %add3A_985 = arith.addf %add3A_980, %get3A_984 : vector<16xf32>
    %get3A_986 = arith.constant 9 : i32
    %get3A_987 = arith.index_cast %get3A_986 : i32 to index
    %get3A_988 = arith.constant 112 : index
    %get3A_989 = tpu.vector_load %arg8[%get3A_987, %get3A_988] {strides = array<i32>} : memref<16x128xf32, #tpu.memory_space<vmem>>, vector<16xf32>,
    %add3A_990 = arith.addf %add3A_985, %get3A_989 : vector<16xf32>
    %get3A_991 = arith.constant 10 : i32
    %get3A_992 = arith.index_cast %get3A_991 : i32 to index
    %get3A_993 = arith.constant 112 : index
    %get3A_994 = tpu.vector_load %arg8[%get3A_992, %get3A_993] {strides = array<i32>} : memref<16x128xf32, #tpu.memory_space<vmem>>, vector<16xf32>,
    %add3A_995 = arith.addf %add3A_990, %get3A_994 : vector<16xf32>
    %get3A_996 = arith.constant 11 : i32
    %get3A_997 = arith.index_cast %get3A_996 : i32 to index
    %get3A_998 = arith.constant 112 : index
    %get3A_999 = tpu.vector_load %arg8[%get3A_997, %get3A_998] {strides = array<i32>} : memref<16x128xf32, #tpu.memory_space<vmem>>, vector<16xf32>,
    %add3A_1000 = arith.addf %add3A_995, %get3A_999 : vector<16xf32>
    %get3A_1001 = arith.constant 12 : i32
    %get3A_1002 = arith.index_cast %get3A_1001 : i32 to index
    %get3A_1003 = arith.constant 112 : index
    %get3A_1004 = tpu.vector_load %arg8[%get3A_1002, %get3A_1003] {strides = array<i32>} : memref<16x128xf32, #tpu.memory_space<vmem>>, vector<16xf32>,
    %add3A_1005 = arith.addf %add3A_1000, %get3A_1004 : vector<16xf32>
    %get3A_1006 = arith.constant 13 : i32
    %get3A_1007 = arith.index_cast %get3A_1006 : i32 to index
    %get3A_1008 = arith.constant 112 : index
    %get3A_1009 = tpu.vector_load %arg8[%get3A_1007, %get3A_1008] {strides = array<i32>} : memref<16x128xf32, #tpu.memory_space<vmem>>, vector<16xf32>,
    %add3A_1010 = arith.addf %add3A_1005, %get3A_1009 : vector<16xf32>
    %get3A_1011 = arith.constant 14 : i32
    %get3A_1012 = arith.index_cast %get3A_1011 : i32 to index
    %get3A_1013 = arith.constant 112 : index
    %get3A_1014 = tpu.vector_load %arg8[%get3A_1012, %get3A_1013] {strides = array<i32>} : memref<16x128xf32, #tpu.memory_space<vmem>>, vector<16xf32>,
    %add3A_1015 = arith.addf %add3A_1010, %get3A_1014 : vector<16xf32>
    %get3A_1016 = arith.constant 15 : i32
    %get3A_1017 = arith.index_cast %get3A_1016 : i32 to index
    %get3A_1018 = arith.constant 112 : index
    %get3A_1019 = tpu.vector_load %arg8[%get3A_1017, %get3A_1018] {strides = array<i32>} : memref<16x128xf32, #tpu.memory_space<vmem>>, vector<16xf32>,
    %add3A_1020 = arith.addf %add3A_1015, %get3A_1019 : vector<16xf32>
    %swap3A_1021 = arith.constant 112 : index
    %swap3A_1022 = tpu.vector_load %arg9[%swap3A_1021] {strides = array<i32>} : memref<128xf32, #tpu.memory_space<vmem>>, vector<16xf32>,
    tpu.vector_store %arg9[%swap3A_1021], %add3A_1020 {strides = array<i32>} : memref<128xf32, #tpu.memory_space<vmem>>, vector<16xf32>,
    %mul3A_1023 = arith.constant 128 : i32
    %mul3A_1024 = arith.muli %arg1, %mul3A_1023 : i32
    "tpu.region"() ({
      %run_scoped3A = tpu.sem_alloc : memref<!tpu.dma_semaphore, #tpu.memory_space<semaphore_mem>>
      %dma_start3A_1144 = tpu.memref_slice %arg13[%mul3A_1024] : memref<2048xf32, #tpu.memory_space<vmem_shared>> -> memref<128xf32, #tpu.memory_space<vmem_shared>>
      %dma_start3A_1145 = tpu.memref_slice %arg13[%mul3A_1024] : memref<2048xf32, #tpu.memory_space<vmem_shared>> -> memref<128xf32, #tpu.memory_space<vmem_shared>>
      tpu.enqueue_dma source(%arg9 : memref<128xf32, #tpu.memory_space<vmem>>) target(%dma_start3A_1145 : memref<128xf32, #tpu.memory_space<vmem_shared>>) target_semaphore(%run_scoped3A : memref<!tpu.dma_semaphore, #tpu.memory_space<semaphore_mem>>)
      %dma_wait3A_1146 = tpu.memref_slice %arg13[%mul3A_1024] : memref<2048xf32, #tpu.memory_space<vmem_shared>> -> memref<128xf32, #tpu.memory_space<vmem_shared>>
      %dma_wait3A_1147 = tpu.memref_slice %arg13[%mul3A_1024] : memref<2048xf32, #tpu.memory_space<vmem_shared>> -> memref<128xf32, #tpu.memory_space<vmem_shared>>
      tpu.wait_dma2 semaphore(%run_scoped3A : memref<!tpu.dma_semaphore, #tpu.memory_space<semaphore_mem>>) src(%arg9 : memref<128xf32, #tpu.memory_space<vmem>>) dst(%dma_wait3A_1147 : memref<128xf32, #tpu.memory_space<vmem_shared>>)
      tpu.yield
    }) : () -> ()
    %barrier3A_1025 = arith.constant 0 : index
    tpu.barrier barrier_id(%barrier3A_1025)
    "tpu.region"() ({
      %run_scoped3A = tpu.sem_alloc : memref<!tpu.dma_semaphore, #tpu.memory_space<semaphore_mem>>
      tpu.enqueue_dma source(%arg13 : memref<2048xf32, #tpu.memory_space<vmem_shared>>) target(%arg10 : memref<2048xf32, #tpu.memory_space<vmem>>) target_semaphore(%run_scoped3A : memref<!tpu.dma_semaphore, #tpu.memory_space<semaphore_mem>>)
      tpu.wait_dma2 semaphore(%run_scoped3A : memref<!tpu.dma_semaphore, #tpu.memory_space<semaphore_mem>>) src(%arg13 : memref<2048xf32, #tpu.memory_space<vmem_shared>>) dst(%arg10 : memref<2048xf32, #tpu.memory_space<vmem>>)
      tpu.yield
    }) : () -> ()
    %broadcast_in_dim3A_1026 = arith.constant 1.000000e+00 : f32
    %broadcast_in_dim3A_1027 = vector.broadcast %broadcast_in_dim3A_1026 : f32 to vector<16xf32>
    %add3A_1028 = arith.constant 0 : i32
    %add3A_1029 = vector.broadcast %add3A_1028 : i32 to vector<16xi32>
    %add3A_1030 = arith.addi %add3A_1029, %iota3A : vector<16xi32>
    %gather3A = tpu.vector_load_idx %arg10[%add3A_1030] : memref<2048xf32, #tpu.memory_space<vmem>>[vector<16xi32>], vector<16xf32>,
    %lt3A = arith.constant 10 : i32
    %lt3A_1031 = vector.broadcast %lt3A : i32 to vector<16xi32>
    %lt3A_1032 = arith.cmpi slt, %iota3A, %lt3A_1031 : vector<16xi32>
    %jit3A = arith.constant 0.000000e+00 : f32
    %broadcast_in_dim3A_1033 = vector.broadcast %jit3A : f32 to vector<16xf32>
    %select_n3A = arith.select %lt3A_1032, %gather3A, %broadcast_in_dim3A_1033 : vector<16xi1>, vector<16xf32>
    %reduce_sum3A = arith.constant true
    %reduce_sum3A_1034 = vector.broadcast %reduce_sum3A : i1 to vector<16xi1>
    %reduce_sum3A_1035 = tpu.scan <sum>, %select_n3A masked %reduce_sum3A_1034 : vector<16xf32>, vector<16xi1> -> vector<16xf32>
    %reduce_sum3A_1036 = vector.extract %reduce_sum3A_1035[15] : f32 from vector<16xf32>
    %max3A = arith.constant 1.000000e+00 : f32
    %max3A_1037 = arith.maximumf %reduce_sum3A_1036, %max3A : f32
    %eq3A = arith.constant 0 : i32
    %eq3A_1038 = vector.broadcast %eq3A : i32 to vector<16xi32>
    %eq3A_1039 = arith.cmpi eq, %iota3A, %eq3A_1038 : vector<16xi32>
    %broadcast_in_dim3A_1040 = vector.broadcast %max3A_1037 : f32 to vector<16xf32>
    %select_n3A_1041 = arith.select %eq3A_1039, %broadcast_in_dim3A_1040, %broadcast_in_dim3A_1027 : vector<16xi1>, vector<16xf32>
    %add3A_1042 = arith.constant 280 : i32
    %add3A_1043 = vector.broadcast %add3A_1042 : i32 to vector<16xi32>
    %add3A_1044 = arith.addi %add3A_1043, %iota3A : vector<16xi32>
    %gather3A_1045 = tpu.vector_load_idx %arg10[%add3A_1044] : memref<2048xf32, #tpu.memory_space<vmem>>[vector<16xi32>], vector<16xf32>,
    %lt3A_1046 = arith.constant 10 : i32
    %lt3A_1047 = vector.broadcast %lt3A_1046 : i32 to vector<16xi32>
    %lt3A_1048 = arith.cmpi slt, %iota3A, %lt3A_1047 : vector<16xi32>
    %jit3A_1049 = arith.constant 0.000000e+00 : f32
    %broadcast_in_dim3A_1050 = vector.broadcast %jit3A_1049 : f32 to vector<16xf32>
    %select_n3A_1051 = arith.select %lt3A_1048, %gather3A_1045, %broadcast_in_dim3A_1050 : vector<16xi1>, vector<16xf32>
    %reduce_sum3A_1052 = arith.constant true
    %reduce_sum3A_1053 = vector.broadcast %reduce_sum3A_1052 : i1 to vector<16xi1>
    %reduce_sum3A_1054 = tpu.scan <sum>, %select_n3A_1051 masked %reduce_sum3A_1053 : vector<16xf32>, vector<16xi1> -> vector<16xf32>
    %reduce_sum3A_1055 = vector.extract %reduce_sum3A_1054[15] : f32 from vector<16xf32>
    %max3A_1056 = arith.constant 1.000000e+00 : f32
    %max3A_1057 = arith.maximumf %reduce_sum3A_1055, %max3A_1056 : f32
    %eq3A_1058 = arith.constant 1 : i32
    %eq3A_1059 = vector.broadcast %eq3A_1058 : i32 to vector<16xi32>
    %eq3A_1060 = arith.cmpi eq, %iota3A, %eq3A_1059 : vector<16xi32>
    %broadcast_in_dim3A_1061 = vector.broadcast %max3A_1057 : f32 to vector<16xf32>
    %select_n3A_1062 = arith.select %eq3A_1060, %broadcast_in_dim3A_1061, %select_n3A_1041 : vector<16xi1>, vector<16xf32>
    %add3A_1063 = arith.constant 560 : i32
    %add3A_1064 = vector.broadcast %add3A_1063 : i32 to vector<16xi32>
    %add3A_1065 = arith.addi %add3A_1064, %iota3A : vector<16xi32>
    %gather3A_1066 = tpu.vector_load_idx %arg10[%add3A_1065] : memref<2048xf32, #tpu.memory_space<vmem>>[vector<16xi32>], vector<16xf32>,
    %lt3A_1067 = arith.constant 10 : i32
    %lt3A_1068 = vector.broadcast %lt3A_1067 : i32 to vector<16xi32>
    %lt3A_1069 = arith.cmpi slt, %iota3A, %lt3A_1068 : vector<16xi32>
    %jit3A_1070 = arith.constant 0.000000e+00 : f32
    %broadcast_in_dim3A_1071 = vector.broadcast %jit3A_1070 : f32 to vector<16xf32>
    %select_n3A_1072 = arith.select %lt3A_1069, %gather3A_1066, %broadcast_in_dim3A_1071 : vector<16xi1>, vector<16xf32>
    %reduce_sum3A_1073 = arith.constant true
    %reduce_sum3A_1074 = vector.broadcast %reduce_sum3A_1073 : i1 to vector<16xi1>
    %reduce_sum3A_1075 = tpu.scan <sum>, %select_n3A_1072 masked %reduce_sum3A_1074 : vector<16xf32>, vector<16xi1> -> vector<16xf32>
    %reduce_sum3A_1076 = vector.extract %reduce_sum3A_1075[15] : f32 from vector<16xf32>
    %max3A_1077 = arith.constant 1.000000e+00 : f32
    %max3A_1078 = arith.maximumf %reduce_sum3A_1076, %max3A_1077 : f32
    %eq3A_1079 = arith.constant 2 : i32
    %eq3A_1080 = vector.broadcast %eq3A_1079 : i32 to vector<16xi32>
    %eq3A_1081 = arith.cmpi eq, %iota3A, %eq3A_1080 : vector<16xi32>
    %broadcast_in_dim3A_1082 = vector.broadcast %max3A_1078 : f32 to vector<16xf32>
    %select_n3A_1083 = arith.select %eq3A_1081, %broadcast_in_dim3A_1082, %select_n3A_1062 : vector<16xi1>, vector<16xf32>
    %add3A_1084 = arith.constant 840 : i32
    %add3A_1085 = vector.broadcast %add3A_1084 : i32 to vector<16xi32>
    %add3A_1086 = arith.addi %add3A_1085, %iota3A : vector<16xi32>
    %gather3A_1087 = tpu.vector_load_idx %arg10[%add3A_1086] : memref<2048xf32, #tpu.memory_space<vmem>>[vector<16xi32>], vector<16xf32>,
    %lt3A_1088 = arith.constant 10 : i32
    %lt3A_1089 = vector.broadcast %lt3A_1088 : i32 to vector<16xi32>
    %lt3A_1090 = arith.cmpi slt, %iota3A, %lt3A_1089 : vector<16xi32>
    %jit3A_1091 = arith.constant 0.000000e+00 : f32
    %broadcast_in_dim3A_1092 = vector.broadcast %jit3A_1091 : f32 to vector<16xf32>
    %select_n3A_1093 = arith.select %lt3A_1090, %gather3A_1087, %broadcast_in_dim3A_1092 : vector<16xi1>, vector<16xf32>
    %reduce_sum3A_1094 = arith.constant true
    %reduce_sum3A_1095 = vector.broadcast %reduce_sum3A_1094 : i1 to vector<16xi1>
    %reduce_sum3A_1096 = tpu.scan <sum>, %select_n3A_1093 masked %reduce_sum3A_1095 : vector<16xf32>, vector<16xi1> -> vector<16xf32>
    %reduce_sum3A_1097 = vector.extract %reduce_sum3A_1096[15] : f32 from vector<16xf32>
    %max3A_1098 = arith.constant 1.000000e+00 : f32
    %max3A_1099 = arith.maximumf %reduce_sum3A_1097, %max3A_1098 : f32
    %eq3A_1100 = arith.constant 3 : i32
    %eq3A_1101 = vector.broadcast %eq3A_1100 : i32 to vector<16xi32>
    %eq3A_1102 = arith.cmpi eq, %iota3A, %eq3A_1101 : vector<16xi32>
    %broadcast_in_dim3A_1103 = vector.broadcast %max3A_1099 : f32 to vector<16xf32>
    %select_n3A_1104 = arith.select %eq3A_1102, %broadcast_in_dim3A_1103, %select_n3A_1083 : vector<16xi1>, vector<16xf32>
    %add3A_1105 = arith.constant 1120 : i32
    %add3A_1106 = vector.broadcast %add3A_1105 : i32 to vector<16xi32>
    %add3A_1107 = arith.addi %add3A_1106, %iota3A : vector<16xi32>
    %gather3A_1108 = tpu.vector_load_idx %arg10[%add3A_1107] : memref<2048xf32, #tpu.memory_space<vmem>>[vector<16xi32>], vector<16xf32>,
    %lt3A_1109 = arith.constant 10 : i32
    %lt3A_1110 = vector.broadcast %lt3A_1109 : i32 to vector<16xi32>
    %lt3A_1111 = arith.cmpi slt, %iota3A, %lt3A_1110 : vector<16xi32>
    %jit3A_1112 = arith.constant 0.000000e+00 : f32
    %broadcast_in_dim3A_1113 = vector.broadcast %jit3A_1112 : f32 to vector<16xf32>
    %select_n3A_1114 = arith.select %lt3A_1111, %gather3A_1108, %broadcast_in_dim3A_1113 : vector<16xi1>, vector<16xf32>
    %reduce_sum3A_1115 = arith.constant true
    %reduce_sum3A_1116 = vector.broadcast %reduce_sum3A_1115 : i1 to vector<16xi1>
    %reduce_sum3A_1117 = tpu.scan <sum>, %select_n3A_1114 masked %reduce_sum3A_1116 : vector<16xf32>, vector<16xi1> -> vector<16xf32>
    %reduce_sum3A_1118 = vector.extract %reduce_sum3A_1117[15] : f32 from vector<16xf32>
    %max3A_1119 = arith.constant 1.000000e+00 : f32
    %max3A_1120 = arith.maximumf %reduce_sum3A_1118, %max3A_1119 : f32
    %eq3A_1121 = arith.constant 4 : i32
    %eq3A_1122 = vector.broadcast %eq3A_1121 : i32 to vector<16xi32>
    %eq3A_1123 = arith.cmpi eq, %iota3A, %eq3A_1122 : vector<16xi32>
    %broadcast_in_dim3A_1124 = vector.broadcast %max3A_1120 : f32 to vector<16xf32>
    %select_n3A_1125 = arith.select %eq3A_1123, %broadcast_in_dim3A_1124, %select_n3A_1104 : vector<16xi1>, vector<16xf32>
    %swap3A_1126 = arith.constant 0 : index
    %swap3A_1127 = tpu.vector_load %arg11[%swap3A_1126] {strides = array<i32>} : memref<16xf32, #tpu.memory_space<vmem>>, vector<16xf32>,
    tpu.vector_store %arg11[%swap3A_1126], %select_n3A_1125 {strides = array<i32>} : memref<16xf32, #tpu.memory_space<vmem>>, vector<16xf32>,
    %scan3A_1128 = arith.constant 0 : i32
    %scan3A_1129 = arith.constant 0 : i32
    %scan3A_1130 = arith.constant 128 : i32
    %scan3A_1131 = arith.addi %scan3A_1129, %scan3A_1130 : i32
    %scan3A_1132 = arith.constant 1 : i32
    scf.for %scan3A_1144 = %scan3A_1129 to %scan3A_1131 step %scan3A_1132  : i32 {
      %mul3A_1145 = arith.constant 16 : i32
      %mul3A_1146 = arith.muli %scan3A_1144, %mul3A_1145 : i32
      %add3A_1147 = vector.broadcast %mul3A_1146 : i32 to vector<16xi32>
      %add3A_1148 = arith.addi %add3A_1147, %iota3A : vector<16xi32>
      %jit3A_1149 = arith.constant 280 : i32
      %div3A = vector.broadcast %jit3A_1149 : i32 to vector<16xi32>
      %div3A_1150 = arith.divsi %add3A_1148, %div3A : vector<16xi32>
      %sign3A = arith.constant 0 : i32
      %sign3A_1151 = vector.broadcast %sign3A : i32 to vector<16xi32>
      %sign3A_1152 = arith.cmpi sgt, %add3A_1148, %sign3A_1151 : vector<16xi32>
      %sign3A_1153 = arith.extui %sign3A_1152 : vector<16xi1> to vector<16xi32>
      %sign3A_1154 = arith.constant 0 : i32
      %sign3A_1155 = vector.broadcast %sign3A_1154 : i32 to vector<16xi32>
      %sign3A_1156 = arith.cmpi slt, %add3A_1148, %sign3A_1155 : vector<16xi32>
      %sign3A_1157 = arith.extui %sign3A_1156 : vector<16xi1> to vector<16xi32>
      %sign3A_1158 = arith.subi %sign3A_1153, %sign3A_1157 : vector<16xi32>
      %sign3A_1159 = arith.constant 0 : i32
      %sign3A_1160 = arith.cmpi sgt, %jit3A_1149, %sign3A_1159 : i32
      %sign3A_1161 = arith.extui %sign3A_1160 : i1 to i32
      %sign3A_1162 = arith.constant 0 : i32
      %sign3A_1163 = arith.cmpi slt, %jit3A_1149, %sign3A_1162 : i32
      %sign3A_1164 = arith.extui %sign3A_1163 : i1 to i32
      %sign3A_1165 = arith.subi %sign3A_1161, %sign3A_1164 : i32
      %ne3A = vector.broadcast %sign3A_1165 : i32 to vector<16xi32>
      %ne3A_1166 = arith.cmpi ne, %sign3A_1158, %ne3A : vector<16xi32>
      %rem3A = vector.broadcast %jit3A_1149 : i32 to vector<16xi32>
      %rem3A_1167 = arith.remsi %add3A_1148, %rem3A : vector<16xi32>
      %ne3A_1168 = arith.constant 0 : i32
      %ne3A_1169 = vector.broadcast %ne3A_1168 : i32 to vector<16xi32>
      %ne3A_1170 = arith.cmpi ne, %rem3A_1167, %ne3A_1169 : vector<16xi32>
      %and3A = arith.andi %ne3A_1166, %ne3A_1170 : vector<16xi1>
      %sub3A = arith.constant 1 : i32
      %sub3A_1171 = vector.broadcast %sub3A : i32 to vector<16xi32>
      %sub3A_1172 = arith.subi %div3A_1150, %sub3A_1171 : vector<16xi32>
      %select_n3A_1173 = arith.select %and3A, %sub3A_1172, %div3A_1150 : vector<16xi1>, vector<16xi32>
      %gather3A_1174 = tpu.vector_load_idx %arg11[%select_n3A_1173] : memref<16xf32, #tpu.memory_space<vmem>>[vector<16xi32>], vector<16xf32>,
      %mul3A_1175 = arith.constant 16 : i32
      %mul3A_1176 = arith.muli %scan3A_1144, %mul3A_1175 : i32
      %get3A_1177 = arith.index_cast %mul3A_1176 : i32 to index
      %get3A_1178 = tpu.vector_load %arg10[%get3A_1177] {strides = array<i32>} : memref<2048xf32, #tpu.memory_space<vmem>>, vector<16xf32>,
      %div3A_1179 = arith.divf %get3A_1178, %gather3A_1174 : vector<16xf32>
      %mul3A_1180 = arith.constant 16 : i32
      %mul3A_1181 = arith.muli %scan3A_1144, %mul3A_1180 : i32
      %swap3A_1182 = arith.index_cast %mul3A_1181 : i32 to index
      %swap3A_1183 = tpu.vector_load %arg10[%swap3A_1182] {strides = array<i32>} : memref<2048xf32, #tpu.memory_space<vmem>>, vector<16xf32>,
      tpu.vector_store %arg10[%swap3A_1182], %div3A_1179 {strides = array<i32>} : memref<2048xf32, #tpu.memory_space<vmem>>, vector<16xf32>,
    }
    %scan3A_1133 = arith.constant 128 : i32
    %mul3A_1134 = arith.constant 3584 : i32
    %mul3A_1135 = arith.muli %arg0, %mul3A_1134 : i32
    %scan3A_1136 = arith.constant 0 : i32
    %scan3A_1137 = arith.constant 0 : i32
    %scan3A_1138 = arith.constant 112 : i32
    %scan3A_1139 = arith.addi %scan3A_1137, %scan3A_1138 : i32
    %scan3A_1140 = arith.constant 1 : i32
    scf.for %scan3A_1144 = %scan3A_1137 to %scan3A_1139 step %scan3A_1140  : i32 {
      %mul3A_1145 = arith.constant 2 : i32
      %mul3A_1146 = arith.muli %mul3A_1145, %scan3A_1144 : i32
      %add3A_1147 = arith.constant 0 : i32
      %add3A_1148 = arith.addi %mul3A_1146, %add3A_1147 : i32
      %mul3A_1149 = arith.constant 16 : i32
      %mul3A_1150 = arith.muli %add3A_1148, %mul3A_1149 : i32
      %add3A_1151 = arith.addi %mul3A_1135, %mul3A_1150 : i32
      %add3A_1152 = vector.broadcast %add3A_1151 : i32 to vector<16xi32>
      %add3A_1153 = arith.addi %add3A_1152, %iota3A : vector<16xi32>
      %jit3A_1154 = arith.constant 28 : i32
      %div3A = vector.broadcast %jit3A_1154 : i32 to vector<16xi32>
      %div3A_1155 = arith.divsi %add3A_1153, %div3A : vector<16xi32>
      %sign3A = arith.constant 0 : i32
      %sign3A_1156 = vector.broadcast %sign3A : i32 to vector<16xi32>
      %sign3A_1157 = arith.cmpi sgt, %add3A_1153, %sign3A_1156 : vector<16xi32>
      %sign3A_1158 = arith.extui %sign3A_1157 : vector<16xi1> to vector<16xi32>
      %sign3A_1159 = arith.constant 0 : i32
      %sign3A_1160 = vector.broadcast %sign3A_1159 : i32 to vector<16xi32>
      %sign3A_1161 = arith.cmpi slt, %add3A_1153, %sign3A_1160 : vector<16xi32>
      %sign3A_1162 = arith.extui %sign3A_1161 : vector<16xi1> to vector<16xi32>
      %sign3A_1163 = arith.subi %sign3A_1158, %sign3A_1162 : vector<16xi32>
      %sign3A_1164 = arith.constant 0 : i32
      %sign3A_1165 = arith.cmpi sgt, %jit3A_1154, %sign3A_1164 : i32
      %sign3A_1166 = arith.extui %sign3A_1165 : i1 to i32
      %sign3A_1167 = arith.constant 0 : i32
      %sign3A_1168 = arith.cmpi slt, %jit3A_1154, %sign3A_1167 : i32
      %sign3A_1169 = arith.extui %sign3A_1168 : i1 to i32
      %sign3A_1170 = arith.subi %sign3A_1166, %sign3A_1169 : i32
      %ne3A = vector.broadcast %sign3A_1170 : i32 to vector<16xi32>
      %ne3A_1171 = arith.cmpi ne, %sign3A_1163, %ne3A : vector<16xi32>
      %rem3A = vector.broadcast %jit3A_1154 : i32 to vector<16xi32>
      %rem3A_1172 = arith.remsi %add3A_1153, %rem3A : vector<16xi32>
      %ne3A_1173 = arith.constant 0 : i32
      %ne3A_1174 = vector.broadcast %ne3A_1173 : i32 to vector<16xi32>
      %ne3A_1175 = arith.cmpi ne, %rem3A_1172, %ne3A_1174 : vector<16xi32>
      %and3A = arith.andi %ne3A_1171, %ne3A_1175 : vector<16xi1>
      %sub3A = arith.constant 1 : i32
      %sub3A_1176 = vector.broadcast %sub3A : i32 to vector<16xi32>
      %sub3A_1177 = arith.subi %div3A_1155, %sub3A_1176 : vector<16xi32>
      %select_n3A_1178 = arith.select %and3A, %sub3A_1177, %div3A_1155 : vector<16xi1>, vector<16xi32>
      %mul3A_1179 = arith.constant 28 : i32
      %mul3A_1180 = vector.broadcast %mul3A_1179 : i32 to vector<16xi32>
      %mul3A_1181 = arith.muli %select_n3A_1178, %mul3A_1180 : vector<16xi32>
      %sub3A_1182 = arith.subi %add3A_1153, %mul3A_1181 : vector<16xi32>
      %get3A_1183 = arith.index_cast %add3A_1151 : i32 to index
      %get3A_1184 = tpu.vector_load %arg5[%get3A_1183] {strides = array<i32>} : memref<7168xf32, #tpu.memory_space<vmem>>, vector<16xf32>,
      %convert_element_type3A = arith.fptosi %get3A_1184 : vector<16xf32> to vector<16xi32>
      %gather3A_1185 = tpu.vector_load_idx %arg6[%select_n3A_1178] : memref<256xi32, #tpu.memory_space<vmem>>[vector<16xi32>], vector<16xi32>,
      %mul3A_1186 = arith.constant 280 : i32
      %mul3A_1187 = vector.broadcast %mul3A_1186 : i32 to vector<16xi32>
      %mul3A_1188 = arith.muli %gather3A_1185, %mul3A_1187 : vector<16xi32>
      %mul3A_1189 = arith.constant 10 : i32
      %mul3A_1190 = vector.broadcast %mul3A_1189 : i32 to vector<16xi32>
      %mul3A_1191 = arith.muli %sub3A_1182, %mul3A_1190 : vector<16xi32>
      %add3A_1192 = arith.addi %mul3A_1188, %mul3A_1191 : vector<16xi32>
      %add3A_1193 = arith.addi %add3A_1192, %convert_element_type3A : vector<16xi32>
      %gather3A_1194 = tpu.vector_load_idx %arg10[%add3A_1193] : memref<2048xf32, #tpu.memory_space<vmem>>[vector<16xi32>], vector<16xf32>,
      %mul3A_1195 = arith.mulf %get3A_1184, %gather3A_1194 : vector<16xf32>
      %swap3A_1196 = arith.index_cast %add3A_1151 : i32 to index
      %swap3A_1197 = tpu.vector_load %arg5[%swap3A_1196] {strides = array<i32>} : memref<7168xf32, #tpu.memory_space<vmem>>, vector<16xf32>,
      tpu.vector_store %arg5[%swap3A_1196], %mul3A_1195 {strides = array<i32>} : memref<7168xf32, #tpu.memory_space<vmem>>, vector<16xf32>,
      %mul3A_1198 = arith.constant 2 : i32
      %mul3A_1199 = arith.muli %mul3A_1198, %scan3A_1144 : i32
      %add3A_1200 = arith.constant 1 : i32
      %add3A_1201 = arith.addi %mul3A_1199, %add3A_1200 : i32
      %mul3A_1202 = arith.constant 16 : i32
      %mul3A_1203 = arith.muli %add3A_1201, %mul3A_1202 : i32
      %add3A_1204 = arith.addi %mul3A_1135, %mul3A_1203 : i32
      %add3A_1205 = vector.broadcast %add3A_1204 : i32 to vector<16xi32>
      %add3A_1206 = arith.addi %add3A_1205, %iota3A : vector<16xi32>
      %jit3A_1207 = arith.constant 28 : i32
      %div3A_1208 = vector.broadcast %jit3A_1207 : i32 to vector<16xi32>
      %div3A_1209 = arith.divsi %add3A_1206, %div3A_1208 : vector<16xi32>
      %sign3A_1210 = arith.constant 0 : i32
      %sign3A_1211 = vector.broadcast %sign3A_1210 : i32 to vector<16xi32>
      %sign3A_1212 = arith.cmpi sgt, %add3A_1206, %sign3A_1211 : vector<16xi32>
      %sign3A_1213 = arith.extui %sign3A_1212 : vector<16xi1> to vector<16xi32>
      %sign3A_1214 = arith.constant 0 : i32
      %sign3A_1215 = vector.broadcast %sign3A_1214 : i32 to vector<16xi32>
      %sign3A_1216 = arith.cmpi slt, %add3A_1206, %sign3A_1215 : vector<16xi32>
      %sign3A_1217 = arith.extui %sign3A_1216 : vector<16xi1> to vector<16xi32>
      %sign3A_1218 = arith.subi %sign3A_1213, %sign3A_1217 : vector<16xi32>
      %sign3A_1219 = arith.constant 0 : i32
      %sign3A_1220 = arith.cmpi sgt, %jit3A_1207, %sign3A_1219 : i32
      %sign3A_1221 = arith.extui %sign3A_1220 : i1 to i32
      %sign3A_1222 = arith.constant 0 : i32
      %sign3A_1223 = arith.cmpi slt, %jit3A_1207, %sign3A_1222 : i32
      %sign3A_1224 = arith.extui %sign3A_1223 : i1 to i32
      %sign3A_1225 = arith.subi %sign3A_1221, %sign3A_1224 : i32
      %ne3A_1226 = vector.broadcast %sign3A_1225 : i32 to vector<16xi32>
      %ne3A_1227 = arith.cmpi ne, %sign3A_1218, %ne3A_1226 : vector<16xi32>
      %rem3A_1228 = vector.broadcast %jit3A_1207 : i32 to vector<16xi32>
      %rem3A_1229 = arith.remsi %add3A_1206, %rem3A_1228 : vector<16xi32>
      %ne3A_1230 = arith.constant 0 : i32
      %ne3A_1231 = vector.broadcast %ne3A_1230 : i32 to vector<16xi32>
      %ne3A_1232 = arith.cmpi ne, %rem3A_1229, %ne3A_1231 : vector<16xi32>
      %and3A_1233 = arith.andi %ne3A_1227, %ne3A_1232 : vector<16xi1>
      %sub3A_1234 = arith.constant 1 : i32
      %sub3A_1235 = vector.broadcast %sub3A_1234 : i32 to vector<16xi32>
      %sub3A_1236 = arith.subi %div3A_1209, %sub3A_1235 : vector<16xi32>
      %select_n3A_1237 = arith.select %and3A_1233, %sub3A_1236, %div3A_1209 : vector<16xi1>, vector<16xi32>
      %mul3A_1238 = arith.constant 28 : i32
      %mul3A_1239 = vector.broadcast %mul3A_1238 : i32 to vector<16xi32>
      %mul3A_1240 = arith.muli %select_n3A_1237, %mul3A_1239 : vector<16xi32>
      %sub3A_1241 = arith.subi %add3A_1206, %mul3A_1240 : vector<16xi32>
      %get3A_1242 = arith.index_cast %add3A_1204 : i32 to index
      %get3A_1243 = tpu.vector_load %arg5[%get3A_1242] {strides = array<i32>} : memref<7168xf32, #tpu.memory_space<vmem>>, vector<16xf32>,
      %convert_element_type3A_1244 = arith.fptosi %get3A_1243 : vector<16xf32> to vector<16xi32>
      %gather3A_1245 = tpu.vector_load_idx %arg6[%select_n3A_1237] : memref<256xi32, #tpu.memory_space<vmem>>[vector<16xi32>], vector<16xi32>,
      %mul3A_1246 = arith.constant 280 : i32
      %mul3A_1247 = vector.broadcast %mul3A_1246 : i32 to vector<16xi32>
      %mul3A_1248 = arith.muli %gather3A_1245, %mul3A_1247 : vector<16xi32>
      %mul3A_1249 = arith.constant 10 : i32
      %mul3A_1250 = vector.broadcast %mul3A_1249 : i32 to vector<16xi32>
      %mul3A_1251 = arith.muli %sub3A_1241, %mul3A_1250 : vector<16xi32>
      %add3A_1252 = arith.addi %mul3A_1248, %mul3A_1251 : vector<16xi32>
      %add3A_1253 = arith.addi %add3A_1252, %convert_element_type3A_1244 : vector<16xi32>
      %gather3A_1254 = tpu.vector_load_idx %arg10[%add3A_1253] : memref<2048xf32, #tpu.memory_space<vmem>>[vector<16xi32>], vector<16xf32>,
      %mul3A_1255 = arith.mulf %get3A_1243, %gather3A_1254 : vector<16xf32>
      %swap3A_1256 = arith.index_cast %add3A_1204 : i32 to index
      %swap3A_1257 = tpu.vector_load %arg5[%swap3A_1256] {strides = array<i32>} : memref<7168xf32, #tpu.memory_space<vmem>>, vector<16xf32>,
      tpu.vector_store %arg5[%swap3A_1256], %mul3A_1255 {strides = array<i32>} : memref<7168xf32, #tpu.memory_space<vmem>>, vector<16xf32>,
    }
    %scan3A_1141 = arith.constant 112 : i32
    %mul3A_1142 = arith.constant 3584 : i32
    %mul3A_1143 = arith.muli %add3A, %mul3A_1142 : i32
    "tpu.region"() ({
      %run_scoped3A = tpu.sem_alloc : memref<!tpu.dma_semaphore, #tpu.memory_space<semaphore_mem>>
      %dma_start3A_1144 = tpu.memref_slice %arg5[%mul3A_1135] : memref<7168xf32, #tpu.memory_space<vmem>> -> memref<3584xf32, #tpu.memory_space<vmem>>
      %dma_start3A_1145 = tpu.memref_slice %arg4[%mul3A_1143] : memref<114688xf32, #tpu.memory_space<hbm>> -> memref<3584xf32, #tpu.memory_space<hbm>>
      %dma_start3A_1146 = tpu.memref_slice %arg4[%mul3A_1143] : memref<114688xf32, #tpu.memory_space<hbm>> -> memref<3584xf32, #tpu.memory_space<hbm>>
      %dma_start3A_1147 = tpu.memref_slice %arg5[%mul3A_1135] : memref<7168xf32, #tpu.memory_space<vmem>> -> memref<3584xf32, #tpu.memory_space<vmem>>
      tpu.enqueue_dma source(%dma_start3A_1147 : memref<3584xf32, #tpu.memory_space<vmem>>) target(%dma_start3A_1146 : memref<3584xf32, #tpu.memory_space<hbm>>) target_semaphore(%run_scoped3A : memref<!tpu.dma_semaphore, #tpu.memory_space<semaphore_mem>>)
      %dma_wait3A_1148 = tpu.memref_slice %arg5[%mul3A_1135] : memref<7168xf32, #tpu.memory_space<vmem>> -> memref<3584xf32, #tpu.memory_space<vmem>>
      %dma_wait3A_1149 = tpu.memref_slice %arg4[%mul3A_1143] : memref<114688xf32, #tpu.memory_space<hbm>> -> memref<3584xf32, #tpu.memory_space<hbm>>
      %dma_wait3A_1150 = tpu.memref_slice %arg4[%mul3A_1143] : memref<114688xf32, #tpu.memory_space<hbm>> -> memref<3584xf32, #tpu.memory_space<hbm>>
      %dma_wait3A_1151 = tpu.memref_slice %arg5[%mul3A_1135] : memref<7168xf32, #tpu.memory_space<vmem>> -> memref<3584xf32, #tpu.memory_space<vmem>>
      tpu.wait_dma2 semaphore(%run_scoped3A : memref<!tpu.dma_semaphore, #tpu.memory_space<semaphore_mem>>) src(%dma_wait3A_1151 : memref<3584xf32, #tpu.memory_space<vmem>>) dst(%dma_wait3A_1150 : memref<3584xf32, #tpu.memory_space<hbm>>)
      tpu.yield
    }) : () -> ()
    return
  }
}

module attributes {stable_mosaic.version = 14 : i64} {
  func.func @_lstm_kernel(%arg0: i32, %arg1: memref<512x28xf32, #tpu.memory_space<vmem>>, %arg2: memref<256x28xf32, #tpu.memory_space<vmem>>, %arg3: memref<1x256xf32, #tpu.memory_space<vmem>>, %arg4: memref<1x256xf32, #tpu.memory_space<vmem>>, %arg5: memref<768x64xf32, #tpu.memory_space<vmem>>, %arg6: memref<1x768xf32, #tpu.memory_space<vmem>>, %arg7: memref<512x768xf32, #tpu.memory_space<vmem>>) attributes {dimension_semantics = [#tpu.dimension_semantics<arbitrary>], iteration_bounds = array<i64: 8>, scalar_prefetch = 0 : i64, scratch_operands = 0 : i64, tpu.core_type = #tpu.core_type<tc>, window_params = [{transform_indices = @transform_0, window_bounds = array<i64: 512, 28>}, {pipeline_mode = #tpu.pipeline_mode<synchronous>, transform_indices = @transform_1, window_bounds = array<i64: 256, 28>}, {pipeline_mode = #tpu.pipeline_mode<synchronous>, transform_indices = @transform_2, window_bounds = array<i64: 1, 256>}, {pipeline_mode = #tpu.pipeline_mode<synchronous>, transform_indices = @transform_3, window_bounds = array<i64: 1, 256>}, {pipeline_mode = #tpu.pipeline_mode<synchronous>, transform_indices = @transform_4, window_bounds = array<i64: 768, 64>}, {pipeline_mode = #tpu.pipeline_mode<synchronous>, transform_indices = @transform_5, window_bounds = array<i64: 1, 768>}, {transform_indices = @transform_6, window_bounds = array<i64: 512, 768>}]} {
    %get3A = arith.constant 0 : index
    %get3A_0 = arith.constant 0 : index
    %get3A_1 = vector.load %arg1[%get3A, %get3A_0] : memref<512x28xf32, #tpu.memory_space<vmem>>, vector<512x28xf32>
    %get3A_2 = arith.constant 0 : index
    %get3A_3 = arith.constant 0 : index
    %get3A_4 = vector.load %arg2[%get3A_2, %get3A_3] : memref<256x28xf32, #tpu.memory_space<vmem>>, vector<256x28xf32>
    %dot_general3A = arith.constant dense<0.000000e+00> : vector<512x256xf32>
    %dot_general3A_5 = tpu.matmul %get3A_1, %get3A_4, %dot_general3A {dimension_numbers = #tpu.dot_dimension_numbers<[1], [1], [0], [0], [0, 0, 1, 0], [], []>, transpose_lhs_hint = false} : vector<512x28xf32>, vector<256x28xf32>, vector<512x256xf32> -> vector<512x256xf32>
    %get3A_6 = arith.constant 0 : index
    %get3A_7 = arith.constant 0 : index
    %get3A_8 = vector.load %arg3[%get3A_6, %get3A_7] : memref<1x256xf32, #tpu.memory_space<vmem>>, vector<1x256xf32>
    %add3A = vector.broadcast %get3A_8 : vector<1x256xf32> to vector<512x256xf32>
    %add3A_9 = arith.addf %dot_general3A_5, %add3A : vector<512x256xf32>
    %get3A_10 = arith.constant 0 : index
    %get3A_11 = arith.constant 0 : index
    %get3A_12 = vector.load %arg4[%get3A_10, %get3A_11] : memref<1x256xf32, #tpu.memory_space<vmem>>, vector<1x256xf32>
    %add3A_13 = vector.broadcast %get3A_12 : vector<1x256xf32> to vector<512x256xf32>
    %add3A_14 = arith.addf %add3A_9, %add3A_13 : vector<512x256xf32>
    %slice3A = vector.extract_strided_slice %add3A_14 {offsets = [0, 0], sizes = [512, 64], strides = [1, 1]} : vector<512x256xf32> to vector<512x64xf32>
    %logistic3A = arith.negf %slice3A : vector<512x64xf32>
    %logistic3A_15 = math.exp %logistic3A : vector<512x64xf32>
    %logistic3A_16 = arith.constant 1.000000e+00 : f32
    %logistic3A_17 = vector.broadcast %logistic3A_16 : f32 to vector<512x64xf32>
    %logistic3A_18 = arith.addf %logistic3A_17, %logistic3A_15 : vector<512x64xf32>
    %logistic3A_19 = arith.divf %logistic3A_17, %logistic3A_18 : vector<512x64xf32>
    %slice3A_20 = vector.extract_strided_slice %add3A_14 {offsets = [0, 128], sizes = [512, 64], strides = [1, 1]} : vector<512x256xf32> to vector<512x64xf32>
    %tanh3A = math.tanh %slice3A_20 : vector<512x64xf32>
    %slice3A_21 = vector.extract_strided_slice %add3A_14 {offsets = [0, 192], sizes = [512, 64], strides = [1, 1]} : vector<512x256xf32> to vector<512x64xf32>
    %logistic3A_22 = arith.negf %slice3A_21 : vector<512x64xf32>
    %logistic3A_23 = math.exp %logistic3A_22 : vector<512x64xf32>
    %logistic3A_24 = arith.constant 1.000000e+00 : f32
    %logistic3A_25 = vector.broadcast %logistic3A_24 : f32 to vector<512x64xf32>
    %logistic3A_26 = arith.addf %logistic3A_25, %logistic3A_23 : vector<512x64xf32>
    %logistic3A_27 = arith.divf %logistic3A_25, %logistic3A_26 : vector<512x64xf32>
    %mul3A = arith.mulf %logistic3A_19, %tanh3A : vector<512x64xf32>
    %tanh3A_28 = math.tanh %mul3A : vector<512x64xf32>
    %mul3A_29 = arith.mulf %logistic3A_27, %tanh3A_28 : vector<512x64xf32>
    %get3A_30 = arith.constant 0 : index
    %get3A_31 = arith.constant 0 : index
    %get3A_32 = vector.load %arg5[%get3A_30, %get3A_31] : memref<768x64xf32, #tpu.memory_space<vmem>>, vector<768x64xf32>
    %dot_general3A_33 = arith.constant dense<0.000000e+00> : vector<512x768xf32>
    %dot_general3A_34 = tpu.matmul %mul3A_29, %get3A_32, %dot_general3A_33 {dimension_numbers = #tpu.dot_dimension_numbers<[1], [1], [0], [0], [0, 0, 1, 0], [], []>, transpose_lhs_hint = false} : vector<512x64xf32>, vector<768x64xf32>, vector<512x768xf32> -> vector<512x768xf32>
    %get3A_35 = arith.constant 0 : index
    %get3A_36 = arith.constant 0 : index
    %get3A_37 = vector.load %arg6[%get3A_35, %get3A_36] : memref<1x768xf32, #tpu.memory_space<vmem>>, vector<1x768xf32>
    %add3A_38 = vector.broadcast %get3A_37 : vector<1x768xf32> to vector<512x768xf32>
    %add3A_39 = arith.addf %dot_general3A_34, %add3A_38 : vector<512x768xf32>
    %swap3A = arith.constant 0 : index
    %swap3A_40 = arith.constant 0 : index
    %swap3A_41 = vector.load %arg7[%swap3A, %swap3A_40] : memref<512x768xf32, #tpu.memory_space<vmem>>, vector<512x768xf32>
    tpu.vector_store %arg7[%swap3A, %swap3A_40], %add3A_39 {strides = array<i32>} : memref<512x768xf32, #tpu.memory_space<vmem>>, vector<512x768xf32>,
    return
  }
  func.func @transform_0(%arg0: i32) -> (i32, i32) {
    %c0_i32 = arith.constant 0 : i32
    %c0_i32_0 = arith.constant 0 : i32
    return %arg0, %c0_i32 : i32, i32
  }
  func.func @transform_1(%arg0: i32) -> (i32, i32) {
    %c0_i32 = arith.constant 0 : i32
    %c0_i32_0 = arith.constant 0 : i32
    %c0_i32_1 = arith.constant 0 : i32
    return %c0_i32, %c0_i32_0 : i32, i32
  }
  func.func @transform_2(%arg0: i32) -> (i32, i32) {
    %c0_i32 = arith.constant 0 : i32
    %c0_i32_0 = arith.constant 0 : i32
    %c0_i32_1 = arith.constant 0 : i32
    return %c0_i32, %c0_i32_0 : i32, i32
  }
  func.func @transform_3(%arg0: i32) -> (i32, i32) {
    %c0_i32 = arith.constant 0 : i32
    %c0_i32_0 = arith.constant 0 : i32
    %c0_i32_1 = arith.constant 0 : i32
    return %c0_i32, %c0_i32_0 : i32, i32
  }
  func.func @transform_4(%arg0: i32) -> (i32, i32) {
    %c0_i32 = arith.constant 0 : i32
    %c0_i32_0 = arith.constant 0 : i32
    %c0_i32_1 = arith.constant 0 : i32
    return %c0_i32, %c0_i32_0 : i32, i32
  }
  func.func @transform_5(%arg0: i32) -> (i32, i32) {
    %c0_i32 = arith.constant 0 : i32
    %c0_i32_0 = arith.constant 0 : i32
    %c0_i32_1 = arith.constant 0 : i32
    return %c0_i32, %c0_i32_0 : i32, i32
  }
  func.func @transform_6(%arg0: i32) -> (i32, i32) {
    %c0_i32 = arith.constant 0 : i32
    %c0_i32_0 = arith.constant 0 : i32
    return %arg0, %c0_i32 : i32, i32
  }
}

</mosaic_0001>

<sc_bundles>
// kernel: kernel.4.cloned.1.call-start
scs
__scs_entry_jumppad:
0x0: {  	(pc) =	sbr.rel $0x88, $3  }
0x1: {  	(tag) =	ssettag $0x0;
	lr =	simm.s32 $0x1  }
0x2: {  	[smem:$0x3F98] =	sst lr;
	_ =	strace $0xD0000000  }
0x3: {  	_ = 	snop  }
0x4: {  	_ = 	snop  }
0x5: {  	_ = 	snop  }
0x6: {  	_ = 	snop  }
0x7: {  	_ = 	snop  }
__scs_overlays_trampoline_lowered:
0x8: {  	[smem:$0x3FA7] =	sst s0  }
0x9: {  	[smem:$0x3FA8] =	sst s1  }
0xa: {  	[smem:$0x3FA9] =	sst s2  }
0xb: {  	[smem:$0x3FAA] =	sst s3  }
0xc: {  	[smem:$0x3FAB] =	sst s4  }
0xd: {  	[smem:$0x3FAC] =	sst s5  }
0xe: {  	[smem:$0x3FAD] =	sst s6  }
0xf: {  	[smem:$0x3FAE] =	sst s7  }
0x10: {  	[smem:$0x3FAF] =	sst s8  }
0x11: {  	[smem:$0x3FB0] =	sst s9;
	s0 =	simm.s32 @!p0 $0x0  }
0x12: {  	s1 =	sld [smem:$0x3F96];
	s0 =	simm.s32 @p0 $0x1  }
0x13: {  	[smem:$0x3FB1] =	sst s0;
	s0 =	simm.s32 @!p1 $0x0  }
0x14: {  	s2 =	sld [smem:$0x3F95];
	s0 =	simm.s32 @p1 $0x1  }
0x15: {  	[smem:$0x3FB2] =	sst s0;
	s0 =	simm.s32 @!p2 $0x0  }
0x16: {  	s3 =	sld [smem:$0x3FDB];
	s0 =	simm.s32 @p2 $0x1  }
0x17: {  	s4 =	simm.s32 $0x1BF5;
	[smem:$0x3FB4] =	sst s0  }
0x18: {  	s0 =	sld [smem:$0x3F97];
	_ =	swait.ge [sflag:s4], $0x0  }
0x19: {  	s7 =	sld [smem:$0x3F98]  }
0x1a: {  	s8 =	sadd.s32 $0xFFFFE003, lr  }
0x1b: {  	s9 =	sadd.s32 $0xFFFFFEF7, lr;
	s5 =	simm.s32 $0xFFFFFFFF;
	p2 =	slt.u32 s8, $0xFFFFF086  }
0x1c: {  	p1 =	slt.u32 s9, $0xF7A;
	s5 =	simm.s32 @!p2 $0x0  }
0x1d: {  	s5 =	simm.s32 @p1 $0x1;
	p0 =	seq.s32 s7, s2  }
0x1e: {  	s7 =	smul.u32 @!p0 $0xF7A, s2;
	p2 =	seq.s32 @!p0 s5, $0x0  }
0x1f: {  	s9 =	smul.u32 $0xF7A, s1;
	s8 =	simm.s32 @!p0 $0x1BF5;
	p2 =	por !p2, p0  }
0x20: {  	[sflag:s8] =	ssyncset.s32 @!p0 $0xFFFFF086;
	s6 =	sadd.s32 @!p0 s3, s7;
	s7 =	simm.s32 @!p0 $0x108  }
0x21: {  	s3 =	sadd.s32 s3, s9;
	s6 =	sadd.s32 @!p0 $0x88, s6;
	s7 =	simm.s32 @p2 $0x1082  }
0x22: {  	[simem:s7], [sflag:s8] =	dma.local @!p0 [hbm:s6], $0xF7A  }
0x23: {  	s9 =	sor.u32 $0xD0000000, s2;
	s6 =	simm.s32 $0x108;
	_ =	swait.ge @!p0 [sflag:s8], $0x0  }
0x24: {  	s3 =	sadd.s32 $0x88, s3;
	s6 =	simm.s32 @!p1 $0x1082;
	[sflag:s4] =	ssyncset.s32 $0xFFFFF086  }
0x25: {  	[simem:s6], [sflag:s4] =	dma.local [hbm:s3], $0xF7A  }
0x26: {  	[smem:$0x3F98] =	sst s1;
	(tag) =	ssettag s2;
	_ =	strace s9  }
0x27: {  	s1 =	sld [smem:$0x3FA8]  }
0x28: {  	s2 =	sld [smem:$0x3FA9]  }
0x29: {  	s4 =	sld [smem:$0x3FAB]  }
0x2a: {  	p0 =	seq.s32 s5, $0x0;
	s5 =	sld [smem:$0x3FAC]  }
0x2b: {  	s6 =	sld [smem:$0x3FAD]  }
0x2c: {  	s7 =	sld [smem:$0x3FAE]  }
0x2d: {  	s3 =	simm.s32 $0x108;
	s8 =	sld [smem:$0x3FAF]  }
0x2e: {  	s3 =	simm.s32 @!p0 $0x1082;
	s9 =	sld [smem:$0x3FB0]  }
0x2f: {  	lr =	sadd.s32 s0, s3;
	s0 =	sld [smem:$0x3FA7]  }
0x30: {  	s3 =	sld [smem:$0x3FAA]  }
0x31: {  	[smem:$0x3FB3] =	sst s10  }
0x32: {  	s10 =	sld [smem:$0x3FB1];
	_ =	sdelay $0x3  }
0x33: {  	p0 =	seq.s32 s10, $0x1;
	s10 =	sld [smem:$0x3FB3];
	_ =	sdelay $0x3  }
0x34: {  	[smem:$0x3FB3] =	sst s10  }
0x35: {  	s10 =	sld [smem:$0x3FB2];
	_ =	sdelay $0x3  }
0x36: {  	p1 =	seq.s32 s10, $0x1;
	s10 =	sld [smem:$0x3FB3];
	_ =	sdelay $0x3  }
0x37: {  	[smem:$0x3FB3] =	sst s10  }
0x38: {  	s10 =	sld [smem:$0x3FB4]  }
0x39: {  	_ = 	snop;
	(pc) =	sbr.ind lr, $3  }
0x3a: {  	_ = 	snop  }
0x3b: {  	_ = 	snop  }
0x3c: {  	p2 =	seq.s32 s10, $0x1;
	s10 =	sld [smem:$0x3FB3]  }
0x3d: {  	_ =	shalt  }
0x3e: {  	_ =	shalt  }
0x3f: {  	_ =	shalt  }
0x40: {  	_ =	shalt  }
0x41: {  	_ =	shalt  }
0x42: {  	_ =	shalt  }
0x43: {  	_ =	shalt  }
0x44: {  	_ =	shalt  }
0x45: {  	_ =	shalt  }
0x46: {  	_ =	shalt  }
0x47: {  	_ =	shalt  }
0x48: {  	_ =	shalt  }
0x49: {  	_ =	shalt  }
0x4a: {  	_ =	shalt  }
0x4b: {  	_ =	shalt  }
0x4c: {  	_ =	shalt  }
0x4d: {  	_ =	shalt  }
0x4e: {  	_ =	shalt  }
0x4f: {  	_ =	shalt  }
0x50: {  	_ =	shalt  }
0x51: {  	_ =	shalt  }
0x52: {  	_ =	shalt  }
0x53: {  	_ =	shalt  }
0x54: {  	_ =	shalt  }
0x55: {  	_ =	shalt  }
0x56: {  	_ =	shalt  }
0x57: {  	_ =	shalt  }
0x58: {  	_ =	shalt  }
0x59: {  	_ =	shalt  }
0x5a: {  	_ =	shalt  }
0x5b: {  	_ =	shalt  }
0x5c: {  	_ =	shalt  }
0x5d: {  	_ =	shalt  }
0x5e: {  	_ =	shalt  }
0x5f: {  	_ =	shalt  }
0x60: {  	_ =	shalt  }
0x61: {  	_ =	shalt  }
0x62: {  	_ =	shalt  }
0x63: {  	_ =	shalt  }
0x64: {  	_ =	shalt  }
0x65: {  	_ =	shalt  }
0x66: {  	_ =	shalt  }
0x67: {  	_ =	shalt  }
0x68: {  	_ =	shalt  }
0x69: {  	_ =	shalt  }
0x6a: {  	_ =	shalt  }
0x6b: {  	_ =	shalt  }
0x6c: {  	_ =	shalt  }
0x6d: {  	_ =	shalt  }
0x6e: {  	_ =	shalt  }
0x6f: {  	_ =	shalt  }
0x70: {  	_ =	shalt  }
0x71: {  	_ =	shalt  }
0x72: {  	_ =	shalt  }
0x73: {  	_ =	shalt  }
0x74: {  	_ =	shalt  }
0x75: {  	_ =	shalt  }
0x76: {  	_ =	shalt  }
0x77: {  	_ =	shalt  }
0x78: {  	_ =	shalt  }
0x79: {  	_ =	shalt  }
0x7a: {  	_ =	shalt  }
0x7b: {  	_ =	shalt  }
0x7c: {  	_ =	shalt  }
0x7d: {  	_ =	shalt  }
0x7e: {  	_ =	shalt  }
0x7f: {  	_ =	shalt  }
0x80: {  	_ =	shalt  }
0x81: {  	_ =	shalt  }
0x82: {  	_ =	shalt  }
0x83: {  	_ =	shalt  }
0x84: {  	_ =	shalt  }
0x85: {  	_ =	shalt  }
0x86: {  	_ =	shalt  }
0x87: {  	_ =	shalt  }
.Lfunc_end0:
.L_simem_size_0:
called_computation_lowered:
.L_overlay_start_0:
0x88: {  	s2 =	sld [smem:$0x3FD9]  }
0x89: {  	s3 =	sld [smem:$0x3FFE];
	_ =	sdelay $0x1  }
0x8a: {  	s1 =	srdreg.scid  }
0x8b: {  	s0 =	sand.u32 $0x1, s1  }
0x8c: {  	s14 =	sshll.u32 s0, $0xA;
	s2 =	sadd.s32 s3, s2  }
0x8d: {  	s2 =	sadd.s32 s2, s14  }
0x8e: {  	[smem:$0x3FBF] =	sst s2  }
0x8f: {  	_ = 	snop  }
0x90: {  	s2 =	sld [smem:$0x3FD0];
	_ =	sdelay $0x2  }
0x91: {  	s4 =	simm.s32 $0xA;
	s5 =	simm.s32 $0x10;
	s15 =	sld [smem:$0x3FC7]  }
0x92: {  	[smem:s5], [sflag:s4] =	dma.local [hbm:s2], $0x1  }
0x93: {  	_ =	swait.eq [sflag:s4], $0x1  }
0x94: {  	[sflag:s4] =	ssyncset.done $0x0  }
0x95: {  	[sflag:s4] =	ssyncadd.s32 $0xFFFFFFFF  }
0x96: {  	s16 =	sld [smem:$0x11];
	(tm) =	ssettm $0x1  }
0x97: {  	s17 =	sld [smem:$0x3FFB];
	_ =	sdelay $0x3  }
0x98: {  	_ =	strace s17  }
0x99: {  	s4 =	sld [smem:$0x3FFC];
	_ =	sdelay $0x3  }
0x9a: {  	_ =	strace s4  }
0x9b: {  	s4 =	sld [smem:$0x3FFD];
	_ =	sdelay $0x3  }
0x9c: {  	_ =	strace s4  }
0x9d: {  	_ =	strace $0x8FFFFFFF  }
0x9e: {  	s18 =	sld [smem:$0x3FDB];
	_ =	sdelay $0x1  }
0x9f: {  	s19 =	simm.s32 $_scs_section_size  }
0xa0: {  	s6 =	simm.s32 $_size__tile_overlayer_lowered;
	s7 =	simm.s32 $_tile_overlayer_lowered  }
0xa1: {  	s22 =	simm.s32 $0x1BFF;
	s21 =	sshll.u32 s7, $0x1;
	s4 =	sadd.s32 s19, s18  }
0xa2: {  	s8 =	simm.s32 $0x0;
	s20 =	sshll.u32 s6, $0x1;
	s6 =	sadd.s32 s21, s4  }
0xa3: {  	[timem:s8], [sflag:s22] =	dma.local [hbm:s6], s20  }
0xa4: {  	_ =	swait.ge [sflag:s22], s20  }
0xa5: {  	s5 =	ssub.s32 $0x0, s20;
	[sflag:s22] =	ssyncset.done $0x0  }
0xa6: {  	[sflag:s22] =	ssyncadd.s32 s5;
	_ =	sdelay $0x1  }
0xa7: {  	s23 =	simm.s32 $0x1B8B  }
0xa8: {  	_ =	swait.ge [sflag:s23], $0x1  }
0xa9: {  	[sflag:s23] =	ssyncset.done $0x0  }
0xaa: {  	s25 =	simm.s32 $0x1B8E;
	s24 =	sld [smem:$0x3FFE];
	[sflag:s23] =	ssyncadd.s32 $0xFFFFFFFF  }
0xab: {  	s26 =	simm.s32 $execute0_lowered;
	[smem:$0x3FD2] =	sst s25  }
0xac: {  	s6 =	sshll.u32 s26, $0x1;
	_ =	strace $0x80000046;
	[dreg:$0x1] =	wrdreg $0xFFFFFFFF  }
0xad: {  	s28 =	simm.s32 $_size_execute0_lowered;
	s4 =	sadd.s32 s4, s6;
	[dreg:$0x0] =	wrdreg $0x0  }
0xae: {  	s6 =	sshll.u32 s28, $0x1;
	[dreg:$0x2] =	wrdreg s4  }
0xaf: {  	[dreg:$0x3] =	wrdreg s6  }
0xb0: {  	[dreg:$0x4] =	wrdreg $0xC0  }
0xb1: {  	_ =	task [dreg:s8], $0x5FFFF  }
0xb2: {  	[dreg:$0x1] =	wrdreg $0xFFFFFFFF  }
0xb3: {  	[dreg:$0x0] =	wrdreg $0x60  }
0xb4: {  	[dreg:$0x2] =	wrdreg s16  }
0xb5: {  	[dreg:$0x3] =	wrdreg s15  }
0xb6: {  	[dreg:$0x4] =	wrdreg s24  }
0xb7: {  	[dreg:$0x5] =	wrdreg $0x36000  }
0xb8: {  	[dreg:$0x6] =	wrdreg $0x3E000  }
0xb9: {  	[dreg:$0x7] =	wrdreg $0x9  }
0xba: {  	_ =	task.clear_ibuf [dreg:s8], $0x8FFFF;
	_ =	strace $0x90000046  }
0xbb: {  	s29 =	simm.s32 $0x9;
	_ =	strace $0x80000048  }
0xbc: {  	_ =	swait.ge [sflag:s29], $0x1  }
0xbd: {  	[sflag:s29] =	ssyncadd.s32 $0xFFFFFFFF  }
0xbe: {  	_ =	strace $0x90000048  }
0xbf: {  	_ =	sfence  }
0xc0: {  	s30 =	sld [smem:$0x0];
	_ =	sdelay $0x2  }
0xc1: {  	s31 =	sshll.u32 s1, $0xD;
	s1 =	sshrl.u32 s1, $0x2  }
0xc2: {  	s3 =	sand.u32 $0x4000, s31;
	s1 =	sadd.s32 s1, s30  }
0xc3: {  	s0 =	sor.u32 s3, s0;
	s1 =	sshll.u32 s1, $0x11  }
0xc4: {  	s0 =	sor.u32 s1, s0  }
0xc5: {  	s0 =	sadd.s32 $0x8F2B, s0  }
0xc6: {  	[sflag:s0] =	ssyncadd.remote.s32 $0x1  }
0xc7: {  	_ =	sfence.sel $0xFFFF  }
0xc8: {  	[dreg:$0x0] =	wrdreg $0xFFFFFFFF;
	(pc) =	sbr.abs _section_cstart, $3  }
0xc9: {  	[dreg:$0x1] =	wrdreg $0xFFFFFFFF  }
0xca: {  	_ =	task.clear_ibuf [dreg:s8], $0x2FFFF;
	_ =	strace $0x9FFFFFFF  }
0xcb: {  	(tm) =	ssettm $0x7FFFFFFF  }
tec
execute0_lowered:
.L_overlay_start_1:
0x0: {  	(tag) =	ssettag $0x1  }
0x1: {  	s0 =	rddreg [dreg:$0x0]  }
0x2: {  	s1 =	rddreg [dreg:$0x1]  }
0x3: {  	s2 =	rddreg [dreg:$0x2]  }
0x4: {  	s3 =	srdreg.scid;
	s4 =	rddreg [dreg:$0x3]  }
0x5: {  	s9 =	stileid.u32;
	s10 =	rddreg [dreg:$0x4]  }
0x6: {  	s28 =	simm.s32 $0x1C00;
	s29 =	simm.s32 $0x1;
	s30 =	simm.s32 $0x1D00  }
0x7: {  	s31 =	simm.s32 $0x2;
	s6 =	sand.u32 $0x1, s3;
	s20 =	sshll.u32 s9, $0x1  }
0x8: {  	s3 =	simm.s32 $0x0;
	s8 =	smul.u32 $0x380, s9;
	s22 =	sshll.u32 s9, $0x5  }
0x9: {  	s5 =	sor.u32 s6, s20;
	[smem:$0x7FF] =	sst s3;
	s7 =	ssub.s32 $0x2, s6  }
0xa: {  	s1 =	sadd.s32 s1, s22;
	s5 =	smul.u32 $0x1C0, s5;
	_ =	strace $0x80000047  }
0xb: {  	s21 =	sshrl.u32 s7, $0x1;
	s0 =	sadd.s32 s0, s8;
	[dreg:$0x7] =	wrdreg s1  }
0xc: {  	s1 =	simm.s32 $0x2D80;
	s7 =	ssub.s32 s7, s21;
	[dreg:$0x6] =	wrdreg s0  }
0xd: {  	s0 =	sshll.u32 s9, $0x7;
	s9 =	sshll.u32 s9, $0xB;
	s2 =	sadd.s32 s5, s2  }
0xe: {  	s5 =	sadd.s32 s0, s4;
	s23 =	sadd.s32 s9, s4;
	s22 =	sadd.s32 s0, s10  }
0xf: {  	s0 =	simm.s32 $0x0;
	[dreg:$0x8] =	wrdreg s23;
	s24 =	sadd.s32 $0x800, s5  }
0x10: {  	s25 =	sadd.s32 $0x1000, s5;
	s26 =	sadd.s32 $0x1800, s5;
	s11 =	sadd.s32 $0x2000, s5  }
0x11: {  	v0 =	vlaneseq.u32;
	s12 =	sadd.s32 $0x2800, s5;
	s13 =	sadd.s32 $0x3000, s5;
	s14 =	sadd.s32 $0x3800, s5  }
0x12: {  	v1 =	vimm.f32 $0.0e+00;
	v5 =	vadd.s32 $0x118, v0;
	s15 =	sadd.s32 $0x4000, s5;
	s16 =	sadd.s32 $0x4800, s5;
	s17 =	sadd.s32 $0x5000, s5  }
0x13: {  	v3 =	vimm.s32 $0x0;
	v4 =	vimm.f32 $1.000000000e+00;
	[tilespmem:$0x1FFC0] =	vst v5;
	v5 =	vor.u32 $0x230, v0;
	s18 =	sadd.s32 $0x5800, s5;
	s19 =	sadd.s32 $0x6000, s5;
	[dreg:$0x9] =	wrdreg s24  }
0x14: {  	vm0 =	vmmov $0x3ff;
	vm1 =	vcmask $0x300;
	[tilespmem:$0x1FFD0] =	vst v5;
	v5 =	vadd.s32 $0x348, v0;
	s20 =	sadd.s32 $0x6800, s5;
	s21 =	sadd.s32 $0x7000, s5;
	[dreg:$0xa] =	wrdreg s25  }
0x15: {  	vm2 =	vcmask $0x704;
	vm3 =	vcmask $0xB08;
	[tilespmem:$0x1FFE0] =	vst v5;
	v5 =	vor.u32 $0x460, v0;
	s23 =	smul.u32 $0xE00, s6;
	[dreg:$0xb] =	wrdreg s26;
	s24 =	sadd.s32 $0xC00, s2  }
0x16: {  	vm4 =	vcmask $0xF0C;
	vm5 =	vcmask $0x1310;
	v2 =	vmul.u32 $0xFFFFFFFF, v0;
	[tilespmem:$0x1FFF0] =	vst v5;
	s25 =	smax.u32 s7, $0x1;
	s26 =	sadd.s32 $0x7800, s5;
	s2 =	simm.s32 $0x3580  }
.LBB2_1:
0x17: {  	s4 =	rddreg [dreg:$0x6]  }
0x18: {  	[tilespmem:s3], [sflag:$0x1] =	stream.linear.gather [hbm4b:s4+s3], $0x1C00, $0x38;
	[tilespmem:$0x3E80] =	vst v63  }
0x19: {  	s10 =	rddreg [dreg:$0x7];
	s6 =	simm.s32 $0x0;
	s4 =	simm.s32 $0x40  }
0x1a: {  	[tilespmem:s28], [sflag:$0x1] =	stream.linear.gather [hbm4b:s10+s3], $0x100, $0x38;
	[tilespmem:$0x3E80] =	vst v63  }
.LBB2_2:
0x1b: {  	p0 =	sne.s32 s4, $0x1FC0;
	[tilespmem:s6+$0x1D00] =	vst v1;
	s6 =	smov.u32 s4;
	s4 =	sadd.s32 $0x40, s4  }
.Ltmp0:
0x1c: {  	(pc) =	sbr.rel @p0 .LBB2_2-.Ltmp0, $2  }
0x1d: {  	_ =	sdelay $0x2  }
0x1e: {  	s6 =	sshra.s32 s6, $0x2  }
0x1f: {  	s4 =	simm.s32 $0x0  }
0x20: {  	v9 =	vor.u32 s4, v0  }
0x21: {  	v10 =	vshrl.u32 v9, $0x2  }
0x22: {  	v10 =	vmulhi.u32 $0x24924925, v10;
	_ =	sdelay $0x1  }
0x23: {  	v11 =	vmov s4;
	v12 =	vmul.u32 $0xFFFFFFE4, v10  }
0x24: {  	[tilespmem:s6+$0x1D00] =	vst v1;
	v13 =	vsub.s32 v2, v11  }
0x25: {  	_ =	swait.ge [sflag:s29], $0x1C00;
	vm6 =	veq.s32 v11, v0;
	vm7 =	vne.s32 v12, v13  }
0x26: {  	[sflag:s29] =	ssyncset.done $0x0;
	vm6 =	vmand vm6, vm7  }
0x27: {  	[sflag:s29] =	ssyncadd.s32 $0xFFFFE400;
	v11 =	vsel vm6, $0xFFFFFFFF, v3  }
0x28: {  	_ =	swait.ge [sflag:s29], $0x100;
	v10 =	vadd.s32 v11, v10  }
0x29: {  	[sflag:s29] =	ssyncset.done $0x0  }
0x2a: {  	s4 =	simm.s32 $0x10;
	[sflag:s29] =	ssyncadd.s32 $0xFFFFFF00  }
0x2b: {  	v11 =	vld [tilespmem:s4+$0xFFFFFFF0];
	_ =	sdelay $0x1  }
0x2c: {  	v12 =	vld.idx.msk [tilespmem:v10+s28+$0x0], $0xffff  }
0x2d: {  	v10 =	vmul.u32 $0xFFFFFFE4, v10;
	_ =	sdelay $0x1  }
0x2e: {  	v9 =	vadd.s32 v9, v10;
	v10 =	vtrunc.f32 v11  }
0x2f: {  	v10 =	vcvt.f32.s32 v10;
	v9 =	vmul.u32 $0xA, v9  }
0x30: {  	v11 =	vmul.u32 $0x118, v12  }
0x31: {  	v9 =	vadd.s32 v10, v9  }
0x32: {  	v10 =	vor.u32 s4, v0;
	v9 =	vadd.s32 v11, v9  }
0x33: {  	v11 =	vshrl.u32 v10, $0x2  }
0x34: {  	v11 =	vmulhi.u32 $0x24924925, v11;
	_ =	sdelay $0x2  }
0x35: {  	[tilespmem:v9+s30+$0x0] =	vst.idx.add.f32.msk $0xffff, v4  }
0x36: {  	v12 =	vld [tilespmem:s4+$0x0]  }
0x37: {  	s10 =	simm.s32 $0x20  }
0x38: {  	v14 =	vmul.u32 $0xFFFFFFE4, v11;
	v9 =	vor.u32 s10, v0;
	v11 =	vld.idx.msk [tilespmem:v11+s28+$0x0], $0xffff  }
0x39: {  	v13 =	vshrl.u32 v9, $0x2  }
0x3a: {  	v13 =	vmulhi.u32 $0x24924925, v13  }
0x3b: {  	v15 =	vmov s10;
	v10 =	vadd.s32 v10, v14;
	v12 =	vtrunc.f32 v12  }
0x3c: {  	v10 =	vmul.u32 $0xA, v10;
	v16 =	vmul.u32 $0xFFFFFFE4, v13;
	v12 =	vcvt.f32.s32 v12  }
0x3d: {  	v14 =	vsub.s32 v2, v15;
	v11 =	vmul.u32 $0x118, v11  }
0x3e: {  	vm6 =	veq.s32 v15, v0;
	vm7 =	vne.s32 v16, v14;
	v12 =	vadd.s32 v12, v10  }
0x3f: {  	vm6 =	vmand vm6, vm7;
	v12 =	vadd.s32 v11, v12  }
0x40: {  	v14 =	vsel vm6, $0xFFFFFFFF, v3  }
0x41: {  	v10 =	vadd.s32 v14, v13  }
0x42: {  	s6 =	simm.s32 $0x30;
	s7 =	simm.s32 $0x50;
	v11 =	vmul.u32 $0xFFFFFFE4, v10  }
.LBB2_4:
0x43: {  	p0 =	sne.s32 s7, $0x1BF0  }
0x44: {  	[tilespmem:v12+s30+$0x0] =	vst.idx.add.f32.msk $0xffff, v4;
	s4 =	sadd.s32 $0x20, s4;
	s8 =	smov.u32 s7;
	s7 =	sadd.s32 $0x20, s7  }
0x45: {  	v12 =	vld [tilespmem:s4+$0xFFFFFFF0]  }
0x46: {  	v10 =	vld.idx.msk [tilespmem:v10+s28+$0x0], $0xffff;
	_ =	sdelay $0x3  }
0x47: {  	v9 =	vadd.s32 v9, v11;
	v11 =	vtrunc.f32 v12  }
0x48: {  	v9 =	vmul.u32 $0xA, v9;
	v11 =	vcvt.f32.s32 v11  }
0x49: {  	v10 =	vmul.u32 $0x118, v10  }
0x4a: {  	v9 =	vadd.s32 v11, v9;
	v11 =	vor.u32 s6, v0;
	s6 =	smov.u32 s8  }
0x4b: {  	v9 =	vadd.s32 v10, v9;
	v10 =	vshrl.u32 v11, $0x2  }
0x4c: {  	v10 =	vmulhi.u32 $0x24924925, v10;
	_ =	sdelay $0x1  }
0x4d: {  	v12 =	vmul.u32 $0xFFFFFFE4, v10;
	_ =	sdelay $0x1  }
0x4e: {  	[tilespmem:v9+s30+$0x0] =	vst.idx.add.f32.msk $0xffff, v4;
	v11 =	vadd.s32 v11, v12  }
0x4f: {  	v12 =	vld [tilespmem:s4+$0x0]  }
0x50: {  	s8 =	sadd.s32 $0xFFFFFFF0, s6;
	v10 =	vld.idx.msk [tilespmem:v10+s28+$0x0], $0xffff  }
0x51: {  	v13 =	vmov s8;
	v9 =	vor.u32 s8, v0  }
0x52: {  	v14 =	vshrl.u32 v9, $0x2  }
0x53: {  	v14 =	vmulhi.u32 $0x24924925, v14  }
0x54: {  	v12 =	vtrunc.f32 v12  }
0x55: {  	v11 =	vmul.u32 $0xA, v11;
	v15 =	vmul.u32 $0xFFFFFFE4, v14;
	v12 =	vcvt.f32.s32 v12  }
0x56: {  	v16 =	vsub.s32 v2, v13;
	v10 =	vmul.u32 $0x118, v10  }
.Ltmp1:
0x57: {  	vm6 =	veq.s32 v13, v0;
	vm7 =	vne.s32 v15, v16;
	v11 =	vadd.s32 v12, v11;
	(pc) =	sbr.rel @p0 .LBB2_4-.Ltmp1, $4  }
0x58: {  	vm6 =	vmand vm6, vm7;
	v12 =	vadd.s32 v10, v11  }
0x59: {  	v10 =	vsel vm6, $0xFFFFFFFF, v3  }
0x5a: {  	v10 =	vadd.s32 v10, v14  }
0x5b: {  	v11 =	vmul.u32 $0xFFFFFFE4, v10  }
0x5c: {  	_ =	sdelay $0x3  }
0x5d: {  	[tilespmem:v12+s30+$0x0] =	vst.idx.add.f32.msk $0xffff, v4;
	s4 =	sadd.s32 $0x20, s4  }
0x5e: {  	v12 =	vld [tilespmem:s4+$0xFFFFFFF0];
	_ =	sdelay $0x1  }
0x5f: {  	v10 =	vld.idx.msk [tilespmem:v10+s28+$0x0], $0xffff;
	_ =	sdelay $0x2  }
0x60: {  	v9 =	vadd.s32 v9, v11;
	v11 =	vtrunc.f32 v12  }
0x61: {  	v9 =	vmul.u32 $0xA, v9;
	v11 =	vcvt.f32.s32 v11  }
0x62: {  	v10 =	vmul.u32 $0x118, v10  }
0x63: {  	v9 =	vadd.s32 v11, v9  }
0x64: {  	v11 =	vor.u32 s6, v0;
	v9 =	vadd.s32 v10, v9  }
0x65: {  	v10 =	vshrl.u32 v11, $0x2  }
0x66: {  	v10 =	vmulhi.u32 $0x24924925, v10;
	_ =	sdelay $0x2  }
0x67: {  	[tilespmem:v9+s30+$0x0] =	vst.idx.add.f32.msk $0xffff, v4  }
0x68: {  	v9 =	vld [tilespmem:s4+$0x0];
	_ =	sdelay $0x1  }
0x69: {  	v58 =	vld.idx.msk [tilespmem:v10+s28+$0x0], $0xffff  }
0x6a: {  	v10 =	vmul.u32 $0xFFFFFFE4, v10;
	_ =	sdelay $0x1  }
0x6b: {  	v10 =	vadd.s32 v11, v10;
	v9 =	vtrunc.f32 v9  }
0x6c: {  	v10 =	vmul.u32 $0xA, v10;
	v9 =	vcvt.f32.s32 v9  }
0x6d: {  	v11 =	vmul.u32 $0x118, v58  }
0x6e: {  	v9 =	vadd.s32 v9, v10  }
0x6f: {  	v9 =	vadd.s32 v11, v9;
	_ =	sdelay $0x4  }
0x70: {  	s7 =	rddreg [dreg:$0x8];
	[tilespmem:v9+s30+$0x0] =	vst.idx.add.f32.msk $0xffff, v4  }
0x71: {  	[spmem:s7] =	stream.linear.scatter [tilespmem:s30], [sflag:$0x2], $0x800, $0x38;
	[tilespmem:$0x3E80] =	vst v63  }
0x72: {  	_ =	swait.ge [sflag:s31], $0x800  }
0x73: {  	[sflag:s31] =	ssyncset.done $0x0  }
0x74: {  	[sflag:s31] =	ssyncadd.s32 $0xFFFFF800  }
0x75: {  	s8 =	simm.s32 $0x2500;
	[bflag:$0x0] =	sbarrier.arrive $0xFFFF  }
0x76: {  	[tilespmem:s8], [sflag:$0x1] =	stream.linear.gather [spmem:s5], $0x80, $0x38;
	[tilespmem:$0x3E80] =	vst v63  }
0x77: {  	s10 =	simm.s32 $0x2580;
	s9 =	rddreg [dreg:$0x9]  }
0x78: {  	[tilespmem:s10], [sflag:$0x1] =	stream.linear.gather [spmem:s9], $0x80, $0x38;
	[tilespmem:$0x3E80] =	vst v63  }
0x79: {  	s7 =	rddreg [dreg:$0xa];
	s8 =	simm.s32 $0x2600  }
0x7a: {  	[tilespmem:s8], [sflag:$0x1] =	stream.linear.gather [spmem:s7], $0x80, $0x38;
	[tilespmem:$0x3E80] =	vst v63  }
0x7b: {  	s9 =	rddreg [dreg:$0xb];
	s10 =	simm.s32 $0x2680  }
0x7c: {  	[tilespmem:s10], [sflag:$0x1] =	stream.linear.gather [spmem:s9], $0x80, $0x38;
	[tilespmem:$0x3E80] =	vst v63  }
0x7d: {  	s6 =	simm.s32 $0x2700  }
0x7e: {  	[tilespmem:s6], [sflag:$0x1] =	stream.linear.gather [spmem:s11], $0x80, $0x38;
	[tilespmem:$0x3E80] =	vst v63  }
0x7f: {  	s7 =	simm.s32 $0x2780  }
0x80: {  	[tilespmem:s7], [sflag:$0x1] =	stream.linear.gather [spmem:s12], $0x80, $0x38;
	[tilespmem:$0x3E80] =	vst v63  }
0x81: {  	s8 =	simm.s32 $0x2800  }
0x82: {  	[tilespmem:s8], [sflag:$0x1] =	stream.linear.gather [spmem:s13], $0x80, $0x38;
	[tilespmem:$0x3E80] =	vst v63  }
0x83: {  	s9 =	simm.s32 $0x2880  }
0x84: {  	[tilespmem:s9], [sflag:$0x1] =	stream.linear.gather [spmem:s14], $0x80, $0x38;
	[tilespmem:$0x3E80] =	vst v63  }
0x85: {  	s10 =	simm.s32 $0x2900  }
0x86: {  	[tilespmem:s10], [sflag:$0x1] =	stream.linear.gather [spmem:s15], $0x80, $0x38;
	[tilespmem:$0x3E80] =	vst v63  }
0x87: {  	s6 =	simm.s32 $0x2980  }
0x88: {  	[tilespmem:s6], [sflag:$0x1] =	stream.linear.gather [spmem:s16], $0x80, $0x38;
	[tilespmem:$0x3E80] =	vst v63  }
0x89: {  	s7 =	simm.s32 $0x2A00  }
0x8a: {  	[tilespmem:s7], [sflag:$0x1] =	stream.linear.gather [spmem:s17], $0x80, $0x38;
	[tilespmem:$0x3E80] =	vst v63  }
0x8b: {  	s8 =	simm.s32 $0x2A80  }
0x8c: {  	[tilespmem:s8], [sflag:$0x1] =	stream.linear.gather [spmem:s18], $0x80, $0x38;
	[tilespmem:$0x3E80] =	vst v63  }
0x8d: {  	s9 =	simm.s32 $0x2B00  }
0x8e: {  	[tilespmem:s9], [sflag:$0x1] =	stream.linear.gather [spmem:s19], $0x80, $0x38;
	[tilespmem:$0x3E80] =	vst v63  }
0x8f: {  	s10 =	simm.s32 $0x2B80  }
0x90: {  	[tilespmem:s10], [sflag:$0x1] =	stream.linear.gather [spmem:s20], $0x80, $0x38;
	[tilespmem:$0x3E80] =	vst v63  }
0x91: {  	s6 =	simm.s32 $0x2C00  }
0x92: {  	[tilespmem:s6], [sflag:$0x1] =	stream.linear.gather [spmem:s21], $0x80, $0x38;
	[tilespmem:$0x3E80] =	vst v63  }
0x93: {  	s7 =	simm.s32 $0x2C80  }
0x94: {  	[tilespmem:s7], [sflag:$0x1] =	stream.linear.gather [spmem:s26], $0x80, $0x38;
	[tilespmem:$0x3E80] =	vst v63  }
0x95: {  	_ =	swait.ge [sflag:s29], $0x80  }
0x96: {  	[sflag:s29] =	ssyncset.done $0x0  }
0x97: {  	[sflag:s29] =	ssyncadd.s32 $0xFFFFFF80  }
0x98: {  	_ =	swait.ge [sflag:s29], $0x80  }
0x99: {  	[sflag:s29] =	ssyncset.done $0x0  }
0x9a: {  	[sflag:s29] =	ssyncadd.s32 $0xFFFFFF80  }
0x9b: {  	_ =	swait.ge [sflag:s29], $0x80  }
0x9c: {  	[sflag:s29] =	ssyncset.done $0x0  }
0x9d: {  	[sflag:s29] =	ssyncadd.s32 $0xFFFFFF80  }
0x9e: {  	_ =	swait.ge [sflag:s29], $0x80  }
0x9f: {  	[sflag:s29] =	ssyncset.done $0x0  }
0xa0: {  	[sflag:s29] =	ssyncadd.s32 $0xFFFFFF80  }
0xa1: {  	_ =	swait.ge [sflag:s29], $0x80  }
0xa2: {  	[sflag:s29] =	ssyncset.done $0x0  }
0xa3: {  	[sflag:s29] =	ssyncadd.s32 $0xFFFFFF80  }
0xa4: {  	_ =	swait.ge [sflag:s29], $0x80  }
0xa5: {  	[sflag:s29] =	ssyncset.done $0x0  }
0xa6: {  	[sflag:s29] =	ssyncadd.s32 $0xFFFFFF80  }
0xa7: {  	_ =	swait.ge [sflag:s29], $0x80  }
0xa8: {  	[sflag:s29] =	ssyncset.done $0x0  }
0xa9: {  	[sflag:s29] =	ssyncadd.s32 $0xFFFFFF80  }
0xaa: {  	_ =	swait.ge [sflag:s29], $0x80  }
0xab: {  	[sflag:s29] =	ssyncset.done $0x0  }
0xac: {  	[sflag:s29] =	ssyncadd.s32 $0xFFFFFF80  }
0xad: {  	_ =	swait.ge [sflag:s29], $0x80  }
0xae: {  	[sflag:s29] =	ssyncset.done $0x0  }
0xaf: {  	[sflag:s29] =	ssyncadd.s32 $0xFFFFFF80  }
0xb0: {  	_ =	swait.ge [sflag:s29], $0x80  }
0xb1: {  	[sflag:s29] =	ssyncset.done $0x0  }
0xb2: {  	[sflag:s29] =	ssyncadd.s32 $0xFFFFFF80  }
0xb3: {  	_ =	swait.ge [sflag:s29], $0x80  }
0xb4: {  	[sflag:s29] =	ssyncset.done $0x0  }
0xb5: {  	[sflag:s29] =	ssyncadd.s32 $0xFFFFFF80  }
0xb6: {  	_ =	swait.ge [sflag:s29], $0x80  }
0xb7: {  	[sflag:s29] =	ssyncset.done $0x0  }
0xb8: {  	[sflag:s29] =	ssyncadd.s32 $0xFFFFFF80  }
0xb9: {  	_ =	swait.ge [sflag:s29], $0x80  }
0xba: {  	[sflag:s29] =	ssyncset.done $0x0  }
0xbb: {  	[sflag:s29] =	ssyncadd.s32 $0xFFFFFF80  }
0xbc: {  	_ =	swait.ge [sflag:s29], $0x80  }
0xbd: {  	[sflag:s29] =	ssyncset.done $0x0  }
0xbe: {  	[sflag:s29] =	ssyncadd.s32 $0xFFFFFF80  }
0xbf: {  	_ =	swait.ge [sflag:s29], $0x80  }
0xc0: {  	[sflag:s29] =	ssyncset.done $0x0  }
0xc1: {  	[sflag:s29] =	ssyncadd.s32 $0xFFFFFF80  }
0xc2: {  	_ =	swait.ge [sflag:s29], $0x80  }
0xc3: {  	[sflag:s29] =	ssyncset.done $0x0  }
0xc4: {  	[sflag:s29] =	ssyncadd.s32 $0xFFFFFF80  }
0xc5: {  	v9 =	vld [tilespmem:$0x2500]  }
0xc6: {  	v10 =	vld [tilespmem:$0x2580]  }
0xc7: {  	v11 =	vld [tilespmem:$0x2600]  }
0xc8: {  	v12 =	vld [tilespmem:$0x2680]  }
0xc9: {  	v18 =	vld [tilespmem:$0x2700]  }
0xca: {  	v19 =	vld [tilespmem:$0x2780]  }
0xcb: {  	v21 =	vld [tilespmem:$0x2800]  }
0xcc: {  	v25 =	vld [tilespmem:$0x2880]  }
0xcd: {  	v37 =	vld [tilespmem:$0x2900]  }
0xce: {  	v40 =	vld [tilespmem:$0x2980]  }
0xcf: {  	v5 =	vld [tilespmem:$0x2A00]  }
0xd0: {  	v14 =	vld [tilespmem:$0x2510]  }
0xd1: {  	v16 =	vld [tilespmem:$0x2590]  }
0xd2: {  	v28 =	vld [tilespmem:$0x2610]  }
0xd3: {  	v29 =	vld [tilespmem:$0x2690]  }
0xd4: {  	v30 =	vld [tilespmem:$0x2710]  }
0xd5: {  	v31 =	vld [tilespmem:$0x2790]  }
0xd6: {  	v32 =	vld [tilespmem:$0x2810]  }
0xd7: {  	v33 =	vld [tilespmem:$0x2890]  }
0xd8: {  	v34 =	vld [tilespmem:$0x2910]  }
0xd9: {  	v35 =	vld [tilespmem:$0x2990]  }
0xda: {  	v36 =	vld [tilespmem:$0x2A10]  }
0xdb: {  	v39 =	vld [tilespmem:$0x2A90]  }
0xdc: {  	v17 =	vld [tilespmem:$0x2520]  }
0xdd: {  	v42 =	vld [tilespmem:$0x25A0]  }
0xde: {  	v43 =	vld [tilespmem:$0x2620]  }
0xdf: {  	v44 =	vld [tilespmem:$0x26A0]  }
0xe0: {  	v45 =	vld [tilespmem:$0x2720]  }
0xe1: {  	v46 =	vld [tilespmem:$0x27A0]  }
0xe2: {  	v47 =	vld [tilespmem:$0x2820]  }
0xe3: {  	v48 =	vld [tilespmem:$0x28A0]  }
0xe4: {  	v49 =	vld [tilespmem:$0x2920]  }
0xe5: {  	v50 =	vld [tilespmem:$0x29A0]  }
0xe6: {  	v51 =	vld [tilespmem:$0x2A20]  }
0xe7: {  	v52 =	vld [tilespmem:$0x2AA0]  }
0xe8: {  	v53 =	vld [tilespmem:$0x2B20]  }
0xe9: {  	v54 =	vld [tilespmem:$0x2BA0]  }
0xea: {  	v55 =	vld [tilespmem:$0x2C20]  }
0xeb: {  	v57 =	vld [tilespmem:$0x2530]  }
0xec: {  	v58 =	vld [tilespmem:$0x25B0]  }
0xed: {  	v59 =	vld [tilespmem:$0x2630]  }
0xee: {  	v60 =	vld [tilespmem:$0x26B0]  }
0xef: {  	v61 =	vld [tilespmem:$0x2730]  }
0xf0: {  	v62 =	vld [tilespmem:$0x27B0]  }
0xf1: {  	v63 =	vld [tilespmem:$0x2830]  }
0xf2: {  	v6 =	vld [tilespmem:$0x2930]  }
0xf3: {  	[tilespmem:$0x1FEF0] =	vst v5;
	v5 =	vld [tilespmem:$0x2A80]  }
0xf4: {  	v7 =	vld [tilespmem:$0x29B0]  }
0xf5: {  	v8 =	vld [tilespmem:$0x2A30]  }
0xf6: {  	v13 =	vld [tilespmem:$0x2AB0]  }
0xf7: {  	v15 =	vld [tilespmem:$0x2B30]  }
0xf8: {  	[tilespmem:$0x1FF00] =	vst v5;
	v5 =	vld [tilespmem:$0x2B00]  }
0xf9: {  	v20 =	vld [tilespmem:$0x2BB0]  }
0xfa: {  	v22 =	vld [tilespmem:$0x2C30]  }
0xfb: {  	v26 =	vld [tilespmem:$0x2CB0]  }
0xfc: {  	v24 =	vld [tilespmem:$0x2540]  }
0xfd: {  	[tilespmem:$0x1FF10] =	vst v5;
	v5 =	vld [tilespmem:$0x2B80]  }
0xfe: {  	v23 =	vld [tilespmem:$0x25C0]  }
0xff: {  	v56 =	vld [tilespmem:$0x27C0]  }
0x100: {  	v27 =	vld [tilespmem:$0x2640]  }
0x101: {  	v38 =	vld [tilespmem:$0x26C0]  }
0x102: {  	[tilespmem:$0x1FF30] =	vst v5;
	v5 =	vld [tilespmem:$0x2C00]  }
0x103: {  	v41 =	vld [tilespmem:$0x2740]  }
0x104: {  	[tilespmem:$0x1FFA0] =	vst v56;
	v56 =	vld [tilespmem:$0x2840]  }
0x105: {  	v9 =	vadd.f32 v10, v9;
	v10 =	vld [tilespmem:$0x28C0]  }
0x106: {  	v14 =	vadd.f32 v16, v14;
	v16 =	vld [tilespmem:$0x2940]  }
0x107: {  	[tilespmem:$0x1FF50] =	vst v5;
	v5 =	vld [tilespmem:$0x2C80]  }
0x108: {  	v9 =	vadd.f32 v11, v9;
	v11 =	vadd.f32 v42, v17;
	v17 =	vld [tilespmem:$0x29C0]  }
0x109: {  	v57 =	vadd.f32 v58, v57;
	v42 =	vadd.f32 v28, v14;
	v28 =	vld [tilespmem:$0x2A40]  }
0x10a: {  	v14 =	vld [tilespmem:$0x2AC0]  }
0x10b: {  	v23 =	vadd.f32 v23, v24;
	v59 =	vadd.f32 v59, v57;
	v57 =	vld [tilespmem:$0x1FEF0]  }
0x10c: {  	[tilespmem:$0x1FF70] =	vst v5;
	v5 =	vld [tilespmem:$0x2B10]  }
0x10d: {  	v23 =	vadd.f32 v27, v23;
	v9 =	vadd.f32 v12, v9;
	v12 =	vld [tilespmem:$0x2B40]  }
0x10e: {  	v11 =	vadd.f32 v43, v11;
	v29 =	vadd.f32 v29, v42;
	v42 =	vld [tilespmem:$0x25D0]  }
0x10f: {  	v23 =	vadd.f32 v38, v23;
	v38 =	vld [tilespmem:$0x27F0]  }
0x110: {  	v43 =	vadd.f32 v44, v11;
	v11 =	vld [tilespmem:$0x2BC0]  }
0x111: {  	[tilespmem:$0x1FF20] =	vst v5;
	v5 =	vld [tilespmem:$0x2B90]  }
0x112: {  	v9 =	vadd.f32 v18, v9;
	v18 =	vld [tilespmem:$0x2C40]  }
0x113: {  	v58 =	vld [tilespmem:$0x1FF00]  }
0x114: {  	v23 =	vadd.f32 v41, v23;
	v41 =	vld [tilespmem:$0x2860]  }
0x115: {  	v44 =	vld [tilespmem:$0x28E0]  }
0x116: {  	v60 =	vadd.f32 v60, v59;
	v29 =	vadd.f32 v30, v29;
	[tilespmem:$0x1FF40] =	vst v5;
	v5 =	vld [tilespmem:$0x2C10]  }
0x117: {  	v19 =	vadd.f32 v19, v9;
	v9 =	vld [tilespmem:$0x2CC0]  }
0x118: {  	v30 =	vadd.f32 v61, v60;
	v29 =	vadd.f32 v31, v29;
	v31 =	vld [tilespmem:$0x2550]  }
0x119: {  	v45 =	vadd.f32 v45, v43;
	v43 =	vld [tilespmem:$0x2870]  }
0x11a: {  	v30 =	vadd.f32 v62, v30;
	v29 =	vadd.f32 v32, v29;
	v32 =	vld [tilespmem:$0x2650]  }
0x11b: {  	[tilespmem:$0x1FF60] =	vst v5;
	v5 =	vld [tilespmem:$0x2C90]  }
0x11c: {  	[tilespmem:$0x1FFB0] =	vst v56;
	v30 =	vadd.f32 v63, v30;
	v63 =	vld [tilespmem:$0x2560]  }
0x11d: {  	v56 =	vadd.f32 v46, v45;
	v45 =	vld [tilespmem:$0x1FFB0]  }
0x11e: {  	v46 =	vld [tilespmem:$0x28F0]  }
0x11f: {  	v19 =	vadd.f32 v21, v19;
	v59 =	vld [tilespmem:$0x1FF10]  }
0x120: {  	[tilespmem:$0x1FF80] =	vst v5;
	v5 =	vld [tilespmem:$0x2CA0]  }
0x121: {  	v19 =	vadd.f32 v25, v19;
	v25 =	vld [tilespmem:$0x26D0]  }
0x122: {  	v29 =	vadd.f32 v33, v29;
	v33 =	vld [tilespmem:$0x2750]  }
0x123: {  	v21 =	vadd.f32 v47, v56;
	v47 =	vld [tilespmem:$0x2960]  }
0x124: {  	v19 =	vadd.f32 v37, v19;
	v37 =	vld [tilespmem:$0x27D0]  }
0x125: {  	v29 =	vadd.f32 v34, v29;
	[tilespmem:$0x1FF90] =	vst v5;
	v5 =	vld [tilespmem:$0x28B0]  }
0x126: {  	v21 =	vadd.f32 v48, v21;
	v34 =	vld [tilespmem:$0x28D0]  }
0x127: {  	v19 =	vadd.f32 v40, v19;
	v29 =	vadd.f32 v35, v29;
	v35 =	vld [tilespmem:$0x29D0]  }
0x128: {  	v21 =	vadd.f32 v49, v21;
	v61 =	vld [tilespmem:$0x1FF30]  }
0x129: {  	v40 =	vld [tilespmem:$0x2CD0];
	v19 =	vadd.f32 v57, v19  }
0x12a: {  	v49 =	vld [tilespmem:$0x25E0];
	v21 =	vadd.f32 v50, v21;
	v5 =	vadd.f32 v5, v30  }
0x12b: {  	v29 =	vadd.f32 v36, v29;
	v36 =	vld [tilespmem:$0x2AD0];
	v19 =	vadd.f32 v58, v19  }
0x12c: {  	v58 =	vadd.f32 v42, v31;
	v42 =	vld [tilespmem:$0x1FFA0];
	v5 =	vadd.f32 v6, v5  }
0x12d: {  	v57 =	vld [tilespmem:$0x2670];
	v21 =	vadd.f32 v51, v21  }
0x12e: {  	v29 =	vadd.f32 v39, v29;
	v39 =	vld [tilespmem:$0x2BD0];
	v5 =	vadd.f32 v7, v5  }
0x12f: {  	v48 =	vld [tilespmem:$0x1FF50];
	v21 =	vadd.f32 v52, v21  }
0x130: {  	v51 =	vld [tilespmem:$0x2570];
	v19 =	vadd.f32 v59, v19;
	v5 =	vadd.f32 v8, v5  }
0x131: {  	v59 =	vld [tilespmem:$0x26E0];
	v21 =	vadd.f32 v53, v21;
	v23 =	vadd.f32 v42, v23  }
0x132: {  	v19 =	vadd.f32 v61, v19;
	v52 =	vld [tilespmem:$0x1FF70];
	v5 =	vadd.f32 v13, v5  }
0x133: {  	v21 =	vadd.f32 v54, v21;
	v23 =	vadd.f32 v45, v23;
	v60 =	vld [tilespmem:$0x1FF20]  }
0x134: {  	v53 =	vld [tilespmem:$0x25F0];
	v19 =	vadd.f32 v48, v19;
	v5 =	vadd.f32 v15, v5  }
0x135: {  	v21 =	vadd.f32 v55, v21;
	v55 =	vld [tilespmem:$0x2660];
	v10 =	vadd.f32 v10, v23  }
0x136: {  	v62 =	vld [tilespmem:$0x1FF40];
	v5 =	vadd.f32 v20, v5  }
0x137: {  	v61 =	vld [tilespmem:$0x2760];
	v19 =	vadd.f32 v52, v19;
	v10 =	vadd.f32 v16, v10  }
0x138: {  	v48 =	vld [tilespmem:$0x2970];
	v29 =	vadd.f32 v60, v29;
	v5 =	vadd.f32 v22, v5  }
0x139: {  	v60 =	vld [tilespmem:$0x26F0];
	v15 =	vadd.f32 v49, v63;
	v20 =	vadd.f32 v53, v51  }
0x13a: {  	v50 =	vld [tilespmem:$0x1FF60];
	v5 =	vadd.f32 v26, v5;
	v26 =	vadd.f32 v32, v58  }
0x13b: {  	v29 =	vadd.f32 v62, v29;
	v62 =	vld [tilespmem:$0x2770];
	v15 =	vadd.f32 v55, v15  }
0x13c: {  	v63 =	vld [tilespmem:$0x27E0];
	v20 =	vadd.f32 v57, v20;
	v25 =	vadd.f32 v25, v26  }
0x13d: {  	v10 =	vadd.f32 v17, v10;
	v30 =	vld [tilespmem:$0x2850];
	v15 =	vadd.f32 v59, v15  }
0x13e: {  	v54 =	vld [tilespmem:$0x1FF80];
	v20 =	vadd.f32 v60, v20;
	v25 =	vadd.f32 v33, v25  }
0x13f: {  	v52 =	vld [tilespmem:$0x2A70];
	v29 =	vadd.f32 v50, v29;
	v15 =	vadd.f32 v61, v15  }
0x140: {  	v50 =	vld [tilespmem:$0x29F0];
	v20 =	vadd.f32 v62, v20;
	v25 =	vadd.f32 v37, v25  }
0x141: {  	v10 =	vadd.f32 v28, v10;
	v6 =	vld [tilespmem:$0x2950];
	v15 =	vadd.f32 v63, v15  }
0x142: {  	v56 =	vld [tilespmem:$0x1FF90];
	v20 =	vadd.f32 v38, v20;
	v25 =	vadd.f32 v30, v25  }
0x143: {  	v29 =	vadd.f32 v54, v29;
	v54 =	vld [tilespmem:$0x2AF0];
	v15 =	vadd.f32 v41, v15  }
0x144: {  	v49 =	vld [tilespmem:$0x29E0];
	v20 =	vadd.f32 v43, v20;
	v25 =	vadd.f32 v34, v25  }
0x145: {  	v10 =	vadd.f32 v14, v10;
	v7 =	vld [tilespmem:$0x2A50];
	v15 =	vadd.f32 v44, v15  }
0x146: {  	v51 =	vld [tilespmem:$0x2A60];
	v20 =	vadd.f32 v46, v20;
	v6 =	vadd.f32 v6, v25  }
0x147: {  	v10 =	vadd.f32 v12, v10;
	v8 =	vld [tilespmem:$0x2B50];
	v15 =	vadd.f32 v47, v15  }
0x148: {  	v53 =	vld [tilespmem:$0x2AE0];
	v20 =	vadd.f32 v48, v20;
	v6 =	vadd.f32 v35, v6  }
0x149: {  	v10 =	vadd.f32 v11, v10;
	v13 =	vld [tilespmem:$0x2C50];
	v15 =	vadd.f32 v49, v15  }
0x14a: {  	v55 =	vld [tilespmem:$0x2B60];
	v6 =	vadd.f32 v7, v6;
	v7 =	vadd.f32 v50, v20  }
0x14b: {  	v21 =	vadd.f32 v56, v21;
	v57 =	vld [tilespmem:$0x2B70];
	v56 =	vadd.f32 v51, v15  }
0x14c: {  	v58 =	vld [tilespmem:$0x2BE0];
	v6 =	vadd.f32 v36, v6;
	v7 =	vadd.f32 v52, v7  }
0x14d: {  	v10 =	vadd.f32 v18, v10;
	v60 =	vld [tilespmem:$0x2BF0];
	v59 =	vadd.f32 v53, v56  }
0x14e: {  	v6 =	vadd.f32 v8, v6;
	v7 =	vadd.f32 v54, v7;
	v8 =	vld [tilespmem:$0x2C60]  }
0x14f: {  	v9 =	vadd.f32 v9, v10;
	v61 =	vld [tilespmem:$0x2C70];
	v11 =	vadd.f32 v55, v59  }
0x150: {  	v62 =	vld [tilespmem:$0x2CE0];
	v6 =	vadd.f32 v39, v6;
	v7 =	vadd.f32 v57, v7  }
0x151: {  	[tilespmem:$0x2D00] =	vst v19;
	v63 =	vld [tilespmem:$0x2CF0];
	v11 =	vadd.f32 v58, v11  }
0x152: {  	[tilespmem:$0x2D40] =	vst v9;
	v6 =	vadd.f32 v13, v6;
	v7 =	vadd.f32 v60, v7  }
0x153: {  	[tilespmem:$0x2D10] =	vst v29;
	v8 =	vadd.f32 v8, v11  }
0x154: {  	[tilespmem:$0x2D30] =	vst v5;
	v5 =	vadd.f32 v40, v6;
	v6 =	vadd.f32 v61, v7  }
0x155: {  	[tilespmem:$0x2D20] =	vst v21;
	v7 =	vadd.f32 v62, v8  }
0x156: {  	[tilespmem:$0x2D50] =	vst v5;
	v5 =	vadd.f32 v63, v6  }
0x157: {  	[tilespmem:$0x2D60] =	vst v7  }
0x158: {  	s8 =	simm.s32 $0x2D00;
	[tilespmem:$0x2D70] =	vst v5  }
0x159: {  	[spmem:s22] =	stream.linear.scatter [tilespmem:s8], [sflag:$0x2], $0x80, $0x38;
	[tilespmem:$0x3E80] =	vst v63  }
0x15a: {  	_ =	swait.ge [sflag:s31], $0x80  }
0x15b: {  	[sflag:s31] =	ssyncset.done $0x0  }
0x15c: {  	[sflag:s31] =	ssyncadd.s32 $0xFFFFFF80  }
0x15d: {  	[bflag:$0x0] =	sbarrier.arrive $0xFFFF  }
0x15e: {  	s4 =	simm.s32 $0x2D80;
	s9 =	rddreg [dreg:$0x4]  }
0x15f: {  	[tilespmem:s4], [sflag:$0x2] =	stream.linear.gather [spmem:s9], $0x800, $0x38;
	[tilespmem:$0x3E80] =	vst v63  }
0x160: {  	_ =	swait.ge [sflag:s31], $0x800  }
0x161: {  	v6 =	vld [tilespmem:$0x1FFC0]  }
0x162: {  	v7 =	vld [tilespmem:$0x1FFD0]  }
0x163: {  	v8 =	vld [tilespmem:$0x1FFE0]  }
0x164: {  	v9 =	vld [tilespmem:$0x1FFF0]  }
0x165: {  	[sflag:s31] =	ssyncset.done $0x0  }
0x166: {  	[sflag:s31] =	ssyncadd.s32 $0xFFFFF800  }
0x167: {  	v5 =	vld.idx.msk [tilespmem:v0+s4+$0x0], $0xffff;
	_ =	sdelay $0x1  }
0x168: {  	v6 =	vld.idx.msk [tilespmem:v6+s4+$0x0], $0xffff  }
0x169: {  	v7 =	vld.idx.msk [tilespmem:v7+s4+$0x0], $0xffff  }
0x16a: {  	v8 =	vld.idx.msk [tilespmem:v8+s4+$0x0], $0xffff  }
0x16b: {  	v5 =	vnsel vm0, $0x0, v5;
	v9 =	vld.idx.msk [tilespmem:v9+s4+$0x0], $0xffff  }
0x16c: {  	(xrf2) =	vadd.scan.msk.f32 $0xffff, v5  }
0x16d: {  	v5 =	vnsel vm0, $0x0, v6  }
0x16e: {  	(xrf2) =	vadd.scan.msk.f32 $0xffff, v5;
	v5 =	vnsel vm0, $0x0, v7  }
0x16f: {  	(xrf2) =	vadd.scan.msk.f32 $0xffff, v5;
	v5 =	vnsel vm0, $0x0, v8  }
0x170: {  	(xrf2) =	vadd.scan.msk.f32 $0xffff, v5;
	v5 =	vnsel vm0, $0x0, v9  }
0x171: {  	(xrf2) =	vadd.scan.msk.f32 $0xffff, v5;
	_ =	sdelay $0x4  }
0x172: {  	v5, _, _ =	vpop (xrf2)  }
0x173: {  	(v2sf) =	vpush v5, $0xF  }
0x174: {  	v5, _, _ =	vpop (xrf2)  }
0x175: {  	v6, _, _ =	vpop (xrf2);
	(v2sf) =	vpush v5, $0xF  }
0x176: {  	v5, _, _ =	vpop (xrf2);
	(v2sf) =	vpush v6, $0xF  }
0x177: {  	(v2sf) =	vpush v5, $0xF;
	v5, _, _ =	vpop (xrf2)  }
0x178: {  	(v2sf) =	vpush v5, $0xF;
	_ =	sdelay $0x2  }
0x179: {  	s10 =	simm.s32 $0x0  }
0x17a: {  	v5 =	vor.u32 s10, v0  }
0x17b: {  	v6 =	vshrl.u32 v5, $0x3  }
0x17c: {  	v6 =	vmulhi.u32 $0xEA0EA0F, v6;
	_ =	sdelay $0x1  }
0x17d: {  	v6 =	vshrl.u32 v6, $0x1  }
0x17e: {  	v7 =	vmul.u32 $0xFFFFFEE8, v6  }
0x17f: {  	v8 =	vmov s10;
	v5 =	vsub.s32 $0x0, v5;
	s7 =	spop (v2sf)  }
0x180: {  	vm6 =	veq.s32 v8, v0;
	vm7 =	vne.s32 v7, v5;
	s8 =	smax.f32 s7, $1.000000000e+00  }
0x181: {  	vm6 =	vmand vm6, vm7;
	v5 =	vmov s8;
	s9 =	spop (v2sf)  }
0x182: {  	v7 =	vsel vm6, $0xFFFFFFFF, v3;
	v5 =	vnsel vm1, $0x3F800000, v5;
	s10 =	spop (v2sf);
	s7 =	smax.f32 s9, $1.000000000e+00  }
0x183: {  	v6 =	vadd.s32 v7, v6;
	v5 =	vsel vm2, s7, v5;
	s8 =	spop (v2sf);
	s6 =	smax.f32 s10, $1.000000000e+00  }
0x184: {  	s7 =	smax.f32 s8, $1.000000000e+00;
	v5 =	vsel vm3, s6, v5;
	s9 =	spop (v2sf)  }
0x185: {  	s6 =	smax.f32 s9, $1.000000000e+00;
	v5 =	vsel vm4, s7, v5  }
0x186: {  	v5 =	vsel vm5, s6, v5  }
0x187: {  	[tilespmem:$0x3580] =	vst v5  }
0x188: {  	v5 =	vld.idx.msk [tilespmem:v6+s2+$0x0], $0xffff  }
0x189: {  	s10 =	simm.s32 $0x10  }
0x18a: {  	v6 =	vor.u32 s10, v0  }
0x18b: {  	v7 =	vshrl.u32 v6, $0x3  }
0x18c: {  	v7 =	vmulhi.u32 $0xEA0EA0F, v7  }
0x18d: {  	(erf) = vrcp.f32 v5  }
0x18e: {  	v5 =	vshrl.u32 v7, $0x1  }
0x18f: {  	v7 =	vmul.u32 $0xFFFFFEE8, v5  }
0x190: {  	v8 =	vmov s10;
	v6 =	vsub.s32 $0x0, v6  }
0x191: {  	vm6 =	veq.s32 v8, v0;
	vm7 =	vne.s32 v7, v6  }
0x192: {  	v6 =	vld [tilespmem:s4+$0x0];
	vm6 =	vmand vm6, vm7  }
0x193: {  	v7 =	vsel vm6, $0xFFFFFFFF, v3;
	_ =	sdelay $0x1  }
0x194: {  	v5 =	vadd.s32 v7, v5  }
0x195: {  	v7 =	vpop (erf)  }
0x196: {  	v6 =	vmul.f32 v7, v6;
	_ =	sdelay $0x1  }
0x197: {  	[tilespmem:s4+$0x0] =	vst v6  }
0x198: {  	v10 =	vld.idx.msk [tilespmem:v5+s2+$0x0], $0xffff;
	_ =	sdelay $0x1  }
0x199: {  	s6 =	simm.s32 $0x20  }
0x19a: {  	s7 =	simm.s32 $0x30;
	v9 =	vor.u32 s6, v0  }
.LBB2_6:
0x19b: {  	p0 =	sne.s32 s7, $0x7F0;
	v5 =	vshrl.u32 v9, $0x3  }
0x19c: {  	v5 =	vmulhi.u32 $0xEA0EA0F, v5;
	(erf) = vrcp.f32 v10;
	_ =	sdelay $0x1  }
0x19d: {  	v5 =	vshrl.u32 v5, $0x1  }
0x19e: {  	v6 =	vmul.u32 $0xFFFFFEE8, v5  }
0x19f: {  	v7 =	vmov s6;
	v8 =	vsub.s32 $0x0, v9;
	s4 =	sadd.s32 $0x10, s4;
	s6 =	smov.u32 s7  }
0x1a0: {  	vm6 =	veq.s32 v7, v0;
	vm7 =	vne.s32 v6, v8;
	v6 =	vld [tilespmem:s4+$0x0]  }
0x1a1: {  	vm6 =	vmand vm6, vm7  }
0x1a2: {  	v8 =	vsel vm6, $0xFFFFFFFF, v3  }
0x1a3: {  	v5 =	vadd.s32 v8, v5  }
0x1a4: {  	v7 =	vpop (erf)  }
0x1a5: {  	v6 =	vmul.f32 v7, v6;
	_ =	sdelay $0x1  }
0x1a6: {  	[tilespmem:s4+$0x0] =	vst v6  }
.Ltmp2:
0x1a7: {  	v10 =	vld.idx.msk [tilespmem:v5+s2+$0x0], $0xffff;
	(pc) =	sbr.rel @p0 .LBB2_6-.Ltmp2, $2  }
0x1a8: {  	_ =	sdelay $0x2  }
0x1a9: {  	s7 =	sadd.s32 $0x10, s7;
	v9 =	vor.u32 s6, v0  }
0x1aa: {  	v5 =	vshrl.u32 v9, $0x3  }
0x1ab: {  	v5 =	vmulhi.u32 $0xEA0EA0F, v5  }
0x1ac: {  	(erf) = vrcp.f32 v10  }
0x1ad: {  	v5 =	vshrl.u32 v5, $0x1  }
0x1ae: {  	v6 =	vmul.u32 $0xFFFFFEE8, v5  }
0x1af: {  	v7 =	vmov s6;
	v8 =	vsub.s32 $0x0, v9  }
0x1b0: {  	s4 =	sadd.s32 $0x10, s4;
	vm6 =	veq.s32 v7, v0;
	vm7 =	vne.s32 v6, v8  }
0x1b1: {  	v6 =	vld [tilespmem:s4+$0x0];
	vm6 =	vmand vm6, vm7  }
0x1b2: {  	v7 =	vsel vm6, $0xFFFFFFFF, v3;
	_ =	sdelay $0x1  }
0x1b3: {  	v5 =	vadd.s32 v7, v5  }
0x1b4: {  	v7 =	vpop (erf)  }
0x1b5: {  	v6 =	vmul.f32 v7, v6;
	_ =	sdelay $0x1  }
0x1b6: {  	[tilespmem:s4+$0x0] =	vst v6  }
0x1b7: {  	v5 =	vld.idx.msk [tilespmem:v5+s2+$0x0], $0xffff  }
0x1b8: {  	s6 =	sadd.s32 $0x10, s23  }
0x1b9: {  	s7 =	sadd.s32 $0xFFFFFFF0, s6  }
0x1ba: {  	v6 =	vmov s7  }
0x1bb: {  	v6 =	vbroadcast v6, $0x0  }
0x1bc: {  	(erf) = vrcp.f32 v5  }
0x1bd: {  	v5 =	vor.u32 v0, v6  }
0x1be: {  	v7 =	vshrl.u32 v5, $0x2  }
0x1bf: {  	v7 =	vmulhi.u32 $0x24924925, v7  }
0x1c0: {  	s4 =	sadd.s32 $0x10, s4  }
0x1c1: {  	v8 =	vld [tilespmem:s4+$0x0];
	v9 =	vmul.u32 $0xFFFFFFE4, v7  }
0x1c2: {  	v10 =	vsub.s32 v2, v6  }
0x1c3: {  	vm7 =	veq.s32 v6, v0;
	vm6 =	vne.s32 v9, v10  }
0x1c4: {  	vm6 =	vmand vm7, vm6  }
0x1c5: {  	v9 =	vsel vm6, $0xFFFFFFFF, v3;
	v6 =	vpop (erf)  }
0x1c6: {  	s8 =	simm.s32 $0x0;
	v7 =	vadd.s32 v9, v7;
	v6 =	vmul.f32 v6, v8  }
0x1c7: {  	s8 =	sand.u32 $0x60, s8;
	s7 =	sand.u32 $0x1F80, s7  }
0x1c8: {  	s9 =	sor.u32 s8, s7;
	[tilespmem:s4+$0x0] =	vst v6  }
0x1c9: {  	v6 =	vld [tilespmem:s9+$0x0];
	_ =	sdelay $0x1  }
0x1ca: {  	v8 =	vld.idx.msk [tilespmem:v7+s28+$0x0], $0xffff  }
0x1cb: {  	v7 =	vmul.u32 $0xFFFFFFE4, v7;
	_ =	sdelay $0x1  }
0x1cc: {  	v5 =	vadd.s32 v5, v7;
	v7 =	vtrunc.f32 v6  }
0x1cd: {  	v5 =	vmul.u32 $0xA, v5;
	v7 =	vcvt.f32.s32 v7  }
0x1ce: {  	v8 =	vmul.u32 $0x118, v8  }
0x1cf: {  	v5 =	vadd.s32 v7, v5  }
0x1d0: {  	v5 =	vadd.s32 v8, v5;
	_ =	sdelay $0x4  }
0x1d1: {  	v5 =	vld.idx.msk [tilespmem:v5+s1+$0x0], $0xffff;
	_ =	sdelay $0x3  }
0x1d2: {  	v7 =	vor.u32 s6, v0  }
0x1d3: {  	v5 =	vmul.f32 v5, v6;
	v6 =	vshrl.u32 v7, $0x2  }
0x1d4: {  	v6 =	vmulhi.u32 $0x24924925, v6  }
0x1d5: {  	s10 =	simm.s32 $0x10  }
0x1d6: {  	s7 =	sand.u32 $0x70, s10;
	s6 =	sand.u32 $0x1F80, s6  }
0x1d7: {  	s8 =	sor.u32 s7, s6;
	[tilespmem:s9+$0x0] =	vst v5  }
0x1d8: {  	v9 =	vld [tilespmem:s8+$0x0];
	_ =	sdelay $0x1  }
0x1d9: {  	v10 =	vld.idx.msk [tilespmem:v6+s28+$0x0], $0xffff  }
0x1da: {  	v5 =	vmul.u32 $0xFFFFFFE4, v6;
	_ =	sdelay $0x1  }
0x1db: {  	s4 =	simm.s32 $0x30;
	s6 =	sadd.s32 $0x30, s23;
	s7 =	simm.s32 $0x50;
	v11 =	vadd.s32 v7, v5;
	v12 =	vtrunc.f32 v9  }
.LBB2_8:
0x1dc: {  	p0 =	sne.s32 s7, $0xDF0;
	s9 =	sadd.s32 $0xFFFFFFF0, s6;
	v5 =	vcvt.f32.s32 v12;
	v6 =	vmul.u32 $0xA, v11  }
0x1dd: {  	v8 =	vmul.u32 $0x118, v10;
	v7 =	vmov s9  }
0x1de: {  	v7 =	vbroadcast v7, $0x0;
	v5 =	vadd.s32 v5, v6  }
0x1df: {  	v5 =	vadd.s32 v8, v5  }
0x1e0: {  	v6 =	vor.u32 v0, v7  }
0x1e1: {  	v8 =	vshrl.u32 v6, $0x2  }
0x1e2: {  	v8 =	vmulhi.u32 $0x24924925, v8;
	_ =	sdelay $0x1  }
0x1e3: {  	v10 =	vmul.u32 $0xFFFFFFE4, v8;
	v5 =	vld.idx.msk [tilespmem:v5+s1+$0x0], $0xffff  }
0x1e4: {  	v11 =	vsub.s32 v2, v7  }
0x1e5: {  	vm6 =	veq.s32 v7, v0;
	vm7 =	vne.s32 v10, v11  }
0x1e6: {  	vm6 =	vmand vm6, vm7  }
0x1e7: {  	v7 =	vsel vm6, $0xFFFFFFFF, v3  }
0x1e8: {  	v7 =	vadd.s32 v7, v8  }
0x1e9: {  	s10 =	sadd.s32 $0xFFFFFFF0, s4;
	v5 =	vmul.f32 v5, v9  }
0x1ea: {  	s9 =	sand.u32 $0x1F80, s9;
	s10 =	sand.u32 $0x60, s10  }
0x1eb: {  	s9 =	sor.u32 s10, s9;
	[tilespmem:s8+$0x0] =	vst v5  }
0x1ec: {  	v5 =	vld [tilespmem:s9+$0x0]  }
0x1ed: {  	v8 =	vld.idx.msk [tilespmem:v7+s28+$0x0], $0xffff;
	_ =	sdelay $0x1  }
0x1ee: {  	v7 =	vmul.u32 $0xFFFFFFE4, v7;
	_ =	sdelay $0x1  }
0x1ef: {  	v6 =	vadd.s32 v6, v7;
	v7 =	vtrunc.f32 v5  }
0x1f0: {  	v6 =	vmul.u32 $0xA, v6;
	v7 =	vcvt.f32.s32 v7  }
0x1f1: {  	v8 =	vmul.u32 $0x118, v8  }
0x1f2: {  	v6 =	vadd.s32 v7, v6  }
0x1f3: {  	v6 =	vadd.s32 v8, v6;
	_ =	sdelay $0x4  }
0x1f4: {  	v6 =	vld.idx.msk [tilespmem:v6+s1+$0x0], $0xffff;
	_ =	sdelay $0x1  }
0x1f5: {  	v7 =	vor.u32 s6, v0  }
0x1f6: {  	v8 =	vshrl.u32 v7, $0x2  }
0x1f7: {  	v8 =	vmulhi.u32 $0x24924925, v8;
	_ =	sdelay $0x1  }
0x1f8: {  	v5 =	vmul.f32 v6, v5  }
0x1f9: {  	s8 =	sand.u32 $0x70, s4;
	s4 =	smov.u32 s7;
	s6 =	sand.u32 $0x1F80, s6  }
0x1fa: {  	s8 =	sor.u32 s8, s6;
	[tilespmem:s9+$0x0] =	vst v5  }
0x1fb: {  	v9 =	vld [tilespmem:s8+$0x0]  }
.Ltmp3:
0x1fc: {  	v10 =	vld.idx.msk [tilespmem:v8+s28+$0x0], $0xffff;
	(pc) =	sbr.rel @p0 .LBB2_8-.Ltmp3, $3  }
0x1fd: {  	_ = 	snop  }
0x1fe: {  	v5 =	vmul.u32 $0xFFFFFFE4, v8;
	_ =	sdelay $0x1  }
0x1ff: {  	s7 =	sadd.s32 $0x20, s7;
	s6 =	sadd.s32 s4, s23;
	v11 =	vadd.s32 v7, v5;
	v12 =	vtrunc.f32 v9  }
0x200: {  	s7 =	sadd.s32 $0xFFFFFFF0, s6;
	v5 =	vcvt.f32.s32 v12;
	v6 =	vmul.u32 $0xA, v11  }
0x201: {  	v8 =	vmul.u32 $0x118, v10;
	v7 =	vmov s7  }
0x202: {  	v7 =	vbroadcast v7, $0x0;
	v5 =	vadd.s32 v5, v6  }
0x203: {  	v5 =	vadd.s32 v8, v5  }
0x204: {  	v6 =	vor.u32 v0, v7  }
0x205: {  	v59 =	vshrl.u32 v6, $0x2  }
0x206: {  	v8 =	vmulhi.u32 $0x24924925, v59;
	_ =	sdelay $0x1  }
0x207: {  	v60 =	vmul.u32 $0xFFFFFFE4, v8;
	v5 =	vld.idx.msk [tilespmem:v5+s1+$0x0], $0xffff  }
0x208: {  	v61 =	vsub.s32 v2, v7  }
0x209: {  	vm6 =	veq.s32 v7, v0;
	vm7 =	vne.s32 v60, v61  }
0x20a: {  	vm6 =	vmand vm6, vm7  }
0x20b: {  	v7 =	vsel vm6, $0xFFFFFFFF, v3  }
0x20c: {  	s9 =	sadd.s32 $0xFFFFFFF0, s4;
	v7 =	vadd.s32 v7, v8;
	v5 =	vmul.f32 v5, v9  }
0x20d: {  	s7 =	sand.u32 $0x1F80, s7;
	s9 =	sand.u32 $0x60, s9  }
0x20e: {  	s7 =	sor.u32 s9, s7;
	[tilespmem:s8+$0x0] =	vst v5  }
0x20f: {  	v5 =	vld [tilespmem:s7+$0x0];
	_ =	sdelay $0x1  }
0x210: {  	v8 =	vld.idx.msk [tilespmem:v7+s28+$0x0], $0xffff  }
0x211: {  	v7 =	vmul.u32 $0xFFFFFFE4, v7;
	_ =	sdelay $0x1  }
0x212: {  	v6 =	vadd.s32 v6, v7;
	v7 =	vtrunc.f32 v5  }
0x213: {  	v6 =	vmul.u32 $0xA, v6;
	v7 =	vcvt.f32.s32 v7  }
0x214: {  	v8 =	vmul.u32 $0x118, v8  }
0x215: {  	v6 =	vadd.s32 v7, v6  }
0x216: {  	v6 =	vadd.s32 v8, v6;
	_ =	sdelay $0x4  }
0x217: {  	v6 =	vld.idx.msk [tilespmem:v6+s1+$0x0], $0xffff;
	_ =	sdelay $0x1  }
0x218: {  	v7 =	vor.u32 s6, v0  }
0x219: {  	v62 =	vshrl.u32 v7, $0x2  }
0x21a: {  	v8 =	vmulhi.u32 $0x24924925, v62  }
0x21b: {  	v5 =	vmul.f32 v6, v5  }
0x21c: {  	s10 =	sand.u32 $0x70, s4;
	s9 =	sand.u32 $0x1F80, s6  }
0x21d: {  	s4 =	sor.u32 s10, s9;
	[tilespmem:s7+$0x0] =	vst v5  }
0x21e: {  	v5 =	vld [tilespmem:s4+$0x0];
	_ =	sdelay $0x1  }
0x21f: {  	v6 =	vld.idx.msk [tilespmem:v8+s28+$0x0], $0xffff  }
0x220: {  	v8 =	vmul.u32 $0xFFFFFFE4, v8;
	_ =	sdelay $0x1  }
0x221: {  	v7 =	vadd.s32 v7, v8;
	v63 =	vtrunc.f32 v5  }
0x222: {  	v7 =	vmul.u32 $0xA, v7;
	v8 =	vcvt.f32.s32 v63  }
0x223: {  	v6 =	vmul.u32 $0x118, v6  }
0x224: {  	v7 =	vadd.s32 v8, v7  }
0x225: {  	v6 =	vadd.s32 v6, v7;
	_ =	sdelay $0x4  }
0x226: {  	v6 =	vld.idx.msk [tilespmem:v6+s1+$0x0], $0xffff;
	_ =	sdelay $0x4  }
0x227: {  	s0 =	sadd.s32 $0x1, s0;
	v5 =	vmul.f32 v6, v5  }
0x228: {  	p0 =	sne.s32 s0, s25  }
.Ltmp4:
0x229: {  	[tilespmem:s4+$0x0] =	vst v5;
	(pc) =	sbr.rel @p0 .LBB2_1-.Ltmp4, $4  }
0x22a: {  	[hbm4b:s24+s3] =	stream.linear.scatter [tilespmem:s23], [sflag:$0x2], $0xE00, $0x38;
	[tilespmem:$0x3E80] =	vst v63  }
0x22b: {  	_ =	swait.ge [sflag:s31], $0xE00  }
0x22c: {  	[sflag:s31] =	ssyncset.done $0x0  }
0x22d: {  	[sflag:s31] =	ssyncadd.s32 $0xFFFFF200  }
0x22e: {  	_ =	sfence.sel $0x180000  }
0x22f: {  	[bflag:$0x0] =	sbarrier.arrive $0xFFFF  }
0x230: {  	_ =	strace $0x90000047  }
0x231: {  	s0 =	stileid.u32;
	[bflag:$0x2] =	sbarrier.arrive $0xFFFF  }
0x232: {  	p0 =	sne.s32 s0, $0x0;
	s0 =	rddreg [dreg:$0x5]  }
0x233: {  	s0 =	sadd.s32 @!p0 $0x100000, s0  }
0x234: {  	[sflag:s0] =	ssyncadd.tile.s32 @!p0 $0x1;
	_ =	shalt  }
.Lfunc_end2:
_tile_overlayer_lowered:
.L_overlay_start_2:
0x235: {  	(tag) =	ssettag $0x2  }
0x236: {  	s0 =	rddreg [dreg:$0x0];
	s2 =	stileid.u32  }
0x237: {  	s1 =	rddreg [dreg:$0x1];
	p0 =	sne.s32 s2, $0x0  }
0x238: {  	s3 =	rddreg [dreg:$0x2];
	[bflag:$0x3] =	sbarrier.arrive $0xFFFF;
	s2 =	simm.s32 @!p0 $0x1C02  }
0x239: {  	[timem:s3], [sflag:s2] =	dma.local @!p0 [hbm:s0], s1  }
0x23a: {  	s0 =	simm.s32 @!p0 $0x2  }
0x23b: {  	_ =	swait.ge @!p0 [sflag:s0], s1  }
0x23c: {  	s1 =	ssub.s32 @!p0 $0x0, s1;
	[sflag:s0] =	ssyncset.done @!p0 $0x0  }
0x23d: {  	[sflag:s0] =	ssyncadd.s32 @!p0 s1  }
0x23e: {  	[bflag:$0x3] =	sbarrier.arrive $0xFFFF  }
0x23f: {  	_ =	shalt  }

</sc_bundles>
